<compile_context>
chip_gen: v7x
topology: tpu7x:2x2x1
jax: 0.10.2.dev20260603
libtpu: 0.0.44.dev20260713+nightly
codegen_flags: <defaults>
</compile_context>

<pallas_src>
import functools

import jax
import jax.numpy as jnp
from jax import lax
from jax.experimental import pallas as pl
from jax.experimental.pallas import tpu as pltpu
from jax.experimental.pallas import tpu_sc as plsc

_NPOINT = 1024
_RADIUS = 0.2
_NSAMPLE = 32
_EPS = 1e-5

_B = 8
_N = 4096
_M = _B * _NPOINT
_ROWS = _M * _NSAMPLE
_TM = 256
_GRID_M = _M // _TM




def _fps_body(xyz_ref, cx_ref, cy_ref, cz_ref):
    xr = xyz_ref[0]
    yr = xyz_ref[1]
    zr = xyz_ref[2]
    iota_n = lax.broadcasted_iota(jnp.int32, (_B, _N), 1)
    iota_s = lax.broadcasted_iota(jnp.int32, (_B, _NPOINT), 1)

    def body(i, st):
        dist, farv, cxa, cya, cza = st
        sel = iota_n == farv
        cx = jnp.sum(jnp.where(sel, xr, 0.0), axis=1, keepdims=True)
        cy = jnp.sum(jnp.where(sel, yr, 0.0), axis=1, keepdims=True)
        cz = jnp.sum(jnp.where(sel, zr, 0.0), axis=1, keepdims=True)
        col = iota_s == i
        cxa = jnp.where(col, cx, cxa)
        cya = jnp.where(col, cy, cya)
        cza = jnp.where(col, cz, cza)
        dx = xr - cx
        dy = yr - cy
        dz = zr - cz
        d = dx * dx + dy * dy + dz * dz
        dist = jnp.minimum(dist, d)
        maxv = jnp.max(dist, axis=1, keepdims=True)
        masked = jnp.where(dist == maxv, iota_n, _N)
        farv = jnp.min(masked, axis=1, keepdims=True)
        return dist, farv, cxa, cya, cza

    init = (jnp.full((_B, _N), 1e10, jnp.float32),
            jnp.zeros((_B, 1), jnp.int32),
            jnp.zeros((_B, _NPOINT), jnp.float32),
            jnp.zeros((_B, _NPOINT), jnp.float32),
            jnp.zeros((_B, _NPOINT), jnp.float32))
    _, _, cxa, cya, cza = lax.fori_loop(0, _NPOINT, body, init)
    cx_ref[...] = cxa
    cy_ref[...] = cya
    cz_ref[...] = cza


def _fps_pallas(xyz):
    xyz3 = xyz.transpose(1, 0, 2)
    shp = jax.ShapeDtypeStruct((_B, _NPOINT), jnp.float32)
    return pl.pallas_call(
        _fps_body,
        out_shape=[shp, shp, shp],
    )(xyz3)



_TS = 256


def _bq_select_body(xyz_ref, nx_ref, out_ref):
    xp = xyz_ref[0]
    d2 = jnp.sum(xp * xp, axis=0, keepdims=True)
    nx = nx_ref[...]
    s2 = jnp.sum(nx * nx, axis=1, keepdims=True)
    dots = jnp.dot(nx, xp, preferred_element_type=jnp.float32)
    d = s2 + d2 - 2.0 * dots
    iota_n = lax.broadcasted_iota(jnp.int32, (_TS, _N), 1)
    a = jnp.where(d <= _RADIUS ** 2, iota_n, iota_n + _N)
    cols = []
    for _ in range(_NSAMPLE):
        m = jnp.min(a, axis=1, keepdims=True)
        cols.append(m)
        a = jnp.where(a == m, a + 2 * _N, a)
    idx = jnp.concatenate(cols, axis=1)
    first = idx[:, :1]
    idx = jnp.where(idx >= _N, jnp.broadcast_to(first, idx.shape), idx)
    boff = (pl.program_id(0) // (_NPOINT // _TS)) * _N
    out_ref[...] = idx + boff


def _bq_select(xyz8, nx8):
    return pl.pallas_call(
        _bq_select_body,
        grid=(_M // _TS,),
        in_specs=[
            pl.BlockSpec((1, 8, _N), lambda i: (i // (_NPOINT // _TS), 0, 0)),
            pl.BlockSpec((_TS, 8), lambda i: (i, 0)),
        ],
        out_specs=pl.BlockSpec((_TS, _NSAMPLE), lambda i: (i, 0)),
        out_shape=jax.ShapeDtypeStruct((_M, _NSAMPLE), jnp.int32),
    )(xyz8, nx8)



_NW = 32
_RPW = _ROWS // _NW
_CHUNK = 128
_NCHUNK = _RPW // _CHUNK


def _sc_gather_body(table_ref, idx_ref, out_ref, idxv, buf0, buf1, sem0, sem1):
    wid = lax.axis_index("s") * 2 + lax.axis_index("c")
    pltpu.sync_copy(idx_ref.at[wid], idxv)
    base = wid * _RPW

    def start(j, buf, sem):
        return pltpu.async_copy(table_ref.at[idxv.at[j]], buf, sem)

    start(0, buf0, sem0)

    def body(j, carry):
        @pl.when(j % 2 == 0)
        def _even():
            @pl.when(j + 1 < _NCHUNK)
            def _s():
                start(j + 1, buf1, sem1)
            pltpu.make_async_copy(table_ref.at[idxv.at[j]], buf0, sem0).wait()
            pltpu.sync_copy(buf0, out_ref.at[pl.ds(base + j * _CHUNK, _CHUNK)])

        @pl.when(j % 2 == 1)
        def _odd():
            @pl.when(j + 1 < _NCHUNK)
            def _s():
                start(j + 1, buf0, sem0)
            pltpu.make_async_copy(table_ref.at[idxv.at[j]], buf1, sem1).wait()
            pltpu.sync_copy(buf1, out_ref.at[pl.ds(base + j * _CHUNK, _CHUNK)])

        return carry

    lax.fori_loop(0, _NCHUNK, body, 0)


def _sc_gather(table16, idxw):
    return pl.kernel(
        _sc_gather_body,
        out_type=jax.ShapeDtypeStruct((_ROWS, 16), jnp.float32),
        mesh=plsc.VectorSubcoreMesh(core_axis_name="c", subcore_axis_name="s"),
        compiler_params=pltpu.CompilerParams(use_tc_tiling_on_sc=False),
        scratch_types=[
            pltpu.VMEM((_NCHUNK, _CHUNK), jnp.int32),
            pltpu.VMEM((_CHUNK, 16), jnp.float32),
            pltpu.VMEM((_CHUNK, 16), jnp.float32),
            pltpu.SemaphoreType.DMA,
            pltpu.SemaphoreType.DMA,
        ],
    )(table16, idxw)




def _sum_pair(x, c):
    s = jnp.sum(x, axis=0)
    q = jnp.sum(x * x, axis=0)
    pad = 128 - c
    if pad:
        s = jnp.concatenate([s, jnp.zeros((pad,), jnp.float32)])
        q = jnp.concatenate([q, jnp.zeros((pad,), jnp.float32)])
    return jnp.concatenate([s[None], q[None], jnp.zeros((6, 128), jnp.float32)], axis=0)


def _accumulate(out_ref, tile):
    @pl.when(pl.program_id(0) == 0)
    def _init():
        out_ref[...] = jnp.zeros_like(out_ref)

    out_ref[...] += tile


def _stats1_body(g_ref, nx_ref, w1_ref, out_ref):
    g = (g_ref[...] - nx_ref[...][None]).reshape(_NSAMPLE * _TM, 16)
    x1 = jnp.dot(g, w1_ref[...], preferred_element_type=jnp.float32)
    _accumulate(out_ref, _sum_pair(x1, 64))


def _stats2_body(g_ref, nx_ref, w1_ref, w2_ref, out_ref):
    g = (g_ref[...] - nx_ref[...][None]).reshape(_NSAMPLE * _TM, 16)
    y1 = jax.nn.relu(jnp.dot(g, w1_ref[...], preferred_element_type=jnp.float32))
    x2 = jnp.dot(y1, w2_ref[...], preferred_element_type=jnp.float32)
    _accumulate(out_ref, _sum_pair(x2, 64))


def _stats3_body(g_ref, nx_ref, w1_ref, w2_ref, vec_ref, w3_ref, out_ref):
    g = (g_ref[...] - nx_ref[...][None]).reshape(_NSAMPLE * _TM, 16)
    shift2 = vec_ref[0, :64]
    y1 = jax.nn.relu(jnp.dot(g, w1_ref[...], preferred_element_type=jnp.float32))
    y2 = jax.nn.relu(jnp.dot(y1, w2_ref[...], preferred_element_type=jnp.float32)
                     + shift2[None, :])
    x3 = jnp.dot(y2, w3_ref[...], preferred_element_type=jnp.float32)
    _accumulate(out_ref, _sum_pair(x3, 128))


def _final_body(g_ref, nx_ref, w1_ref, w2_ref, vec_ref, w3_ref, out_ref):
    g = (g_ref[...] - nx_ref[...][None]).reshape(_NSAMPLE * _TM, 16)
    shift2 = vec_ref[0, :64]
    shift3 = vec_ref[1, :]
    y1 = jax.nn.relu(jnp.dot(g, w1_ref[...], preferred_element_type=jnp.float32))
    y2 = jax.nn.relu(jnp.dot(y1, w2_ref[...], preferred_element_type=jnp.float32)
                     + shift2[None, :])
    y3 = jax.nn.relu(jnp.dot(y2, w3_ref[...], preferred_element_type=jnp.float32)
                     + shift3[None, :])
    out_ref[...] = jnp.max(y3.reshape(_NSAMPLE, _TM, 128), axis=0)


def _g_spec():
    return pl.BlockSpec((_NSAMPLE, _TM, 16), lambda i: (0, i, 0))


def _nx_spec():
    return pl.BlockSpec((_TM, 16), lambda i: (i, 0))


def _full_spec(shape):
    return pl.BlockSpec(shape, lambda i: (0,) * len(shape))


def _run_stats(body, g, nx, ops):
    specs = [_g_spec(), _nx_spec()] + [_full_spec(o.shape) for o in ops]
    return pl.pallas_call(
        body,
        grid=(_GRID_M,),
        in_specs=specs,
        out_specs=pl.BlockSpec((8, 128), lambda i: (0, 0)),
        out_shape=jax.ShapeDtypeStruct((8, 128), jnp.float32),
    )(g, nx, *ops)


def _run_final(g, nx, ops):
    specs = [_g_spec(), _nx_spec()] + [_full_spec(o.shape) for o in ops]
    return pl.pallas_call(
        _final_body,
        grid=(_GRID_M,),
        in_specs=specs,
        out_specs=pl.BlockSpec((_TM, 128), lambda i: (i, 0)),
        out_shape=jax.ShapeDtypeStruct((_M, 128), jnp.float32),
    )(g, nx, *ops)


def kernel(xyz, points, W1, b1, gamma1, beta1, W2, b2, gamma2, beta2,
           W3, b3, gamma3, beta3):
    xyz_t = xyz.transpose(0, 2, 1)
    pts_t = points.transpose(0, 2, 1)

    cx, cy, cz = _fps_pallas(xyz)
    new_xyz = jnp.stack([cx, cy, cz], axis=-1)

    xyz8 = jnp.concatenate([xyz, jnp.zeros((_B, 5, _N), jnp.float32)], axis=1)
    nx8 = jnp.concatenate(
        [new_xyz.reshape(_M, 3), jnp.zeros((_M, 5), jnp.float32)], axis=-1)
    idx = _bq_select(xyz8, nx8)

    table16 = jnp.concatenate(
        [xyz_t, pts_t,
         jnp.ones((_B, _N, 1), jnp.float32),
         jnp.zeros((_B, _N, 9), jnp.float32)], axis=-1).reshape(_B * _N, 16)
    idxw = idx.T.reshape(_NW, _NCHUNK, _CHUNK)
    g = _sc_gather(table16, idxw).reshape(_NSAMPLE, _M, 16)

    nxpad = jnp.concatenate(
        [new_xyz.reshape(_M, 3), jnp.zeros((_M, 13), jnp.float32)], axis=-1)

    w1 = jnp.zeros((16, 64), jnp.float32).at[:6, :].set(W1.T).at[6, :].set(b1)
    w2 = W2.T
    w3 = W3.T
    n = float(_ROWS)

    s1 = _run_stats(_stats1_body, g, nxpad, [w1])
    mean1 = s1[0, :64] / n
    var1 = s1[1, :64] / n - mean1 * mean1
    sc1 = gamma1 / jnp.sqrt(var1 + _EPS)
    w1e = (w1 * sc1[None, :]).at[6, :].add(beta1 - mean1 * sc1)

    s2 = _run_stats(_stats2_body, g, nxpad, [w1e, w2])
    m2 = s2[0, :64] / n
    mean2 = m2 + b2
    var2 = s2[1, :64] / n + 2.0 * b2 * m2 + b2 * b2 - mean2 * mean2
    sc2 = gamma2 / jnp.sqrt(var2 + _EPS)
    w2e = w2 * sc2[None, :]
    shift2 = beta2 + (b2 - mean2) * sc2

    vec2 = jnp.zeros((8, 128), jnp.float32).at[0, :64].set(shift2)
    s3 = _run_stats(_stats3_body, g, nxpad, [w1e, w2e, vec2, w3])
    m3 = s3[0, :] / n
    mean3 = m3 + b3
    var3 = s3[1, :] / n + 2.0 * b3 * m3 + b3 * b3 - mean3 * mean3
    sc3 = gamma3 / jnp.sqrt(var3 + _EPS)
    w3e = w3 * sc3[None, :]
    shift3 = beta3 + (b3 - mean3) * sc3

    vec23 = vec2.at[1, :].set(shift3)
    out = _run_final(g, nxpad, [w1e, w2e, vec23, w3e])

    new_points = out.reshape(_B, _NPOINT, 128).transpose(0, 2, 1)
    return new_xyz.transpose(0, 2, 1), new_points

# --- scband reference (transcript-rebuilt; emitter-appended) ---
"""Pipeline reference for scband-point-net-set-abstraction-89721866814223 (READ-ONLY COPY).

The authoritative reference and input builder live on the scoring server;
editing this copy changes nothing except your own understanding.
"""

import jax, jax.numpy as jnp
import numpy as np

NPOINT = 1024
RADIUS = 0.2
NSAMPLE = 32
IN_CHANNEL = 6
MLP_CHANNELS = [64, 64, 128]
EPS = 1e-5


def square_distance(src, dst):
    # src [B,N,C], dst [B,M,C] -> [B,N,M]
    return (jnp.sum(src ** 2, -1)[:, :, None]
            + jnp.sum(dst ** 2, -1)[:, None, :]
            - 2.0 * jnp.matmul(src, dst.transpose(0, 2, 1)))


def index_points(points, idx):
    # points [B,N,C], idx [B, ...] -> [B, ..., C]
    B = points.shape[0]
    batch = jnp.arange(B).reshape((B,) + (1,) * (idx.ndim - 1))
    return points[batch, idx]


def farthest_point_sample(xyz, npoint):
    # xyz [B,N,3] -> [B,npoint] int32
    B, N, _ = xyz.shape

    def body(i, state):
        centroids, distance, farthest = state
        centroids = centroids.at[:, i].set(farthest)
        centroid = jnp.take_along_axis(xyz, farthest[:, None, None], axis=1)  # [B,1,3]
        d = jnp.sum((xyz - centroid) ** 2, -1)
        distance = jnp.minimum(distance, d)
        farthest = jnp.argmax(distance, axis=-1).astype(jnp.int32)
        return centroids, distance, farthest

    centroids = jnp.zeros((B, npoint), dtype=jnp.int32)
    distance = jnp.full((B, N), 1e10, dtype=xyz.dtype)
    farthest = jnp.zeros((B,), dtype=jnp.int32)
    centroids, _, _ = jax.lax.fori_loop(0, npoint, body, (centroids, distance, farthest))
    return centroids


def query_ball_point(radius, nsample, xyz, new_xyz):
    # xyz [B,N,3], new_xyz [B,S,3] -> [B,S,nsample] int32
    B, N, _ = xyz.shape
    S = new_xyz.shape[1]
    sqrdists = square_distance(new_xyz, xyz)  # [B,S,N]
    group_idx = jnp.broadcast_to(jnp.arange(N, dtype=jnp.int32), (B, S, N))
    group_idx = jnp.where(sqrdists > radius ** 2, N, group_idx)
    group_idx = jnp.sort(group_idx, axis=-1)[:, :, :nsample]
    group_first = jnp.broadcast_to(group_idx[:, :, :1], group_idx.shape)
    group_idx = jnp.where(group_idx == N, group_first, group_idx)
    return group_idx


def setup_inputs(seed: int = 0) -> dict:
    key = jax.random.key(seed)
    ks = jax.random.split(key, 8)
    B, N = 8, 4096
    xyz = jax.random.uniform(ks[0], (B, 3, N), dtype=jnp.float32)
    points = jax.random.normal(ks[1], (B, 3, N), dtype=jnp.float32)
    W1 = jax.random.normal(ks[2], (64, 6), dtype=jnp.float32) / np.sqrt(6.0)
    b1 = jnp.zeros((64,), jnp.float32)
    gamma1 = jnp.ones((64,), jnp.float32)
    beta1 = jnp.zeros((64,), jnp.float32)
    W2 = jax.random.normal(ks[3], (64, 64), dtype=jnp.float32) / np.sqrt(64.0)
    b2 = jnp.zeros((64,), jnp.float32)
    gamma2 = jnp.ones((64,), jnp.float32)
    beta2 = jnp.zeros((64,), jnp.float32)
    W3 = jax.random.normal(ks[4], (128, 64), dtype=jnp.float32) / np.sqrt(64.0)
    b3 = jnp.zeros((128,), jnp.float32)
    gamma3 = jnp.ones((128,), jnp.float32)
    beta3 = jnp.zeros((128,), jnp.float32)
    return {"xyz": xyz, "points": points,
            "W1": W1, "b1": b1, "gamma1": gamma1, "beta1": beta1,
            "W2": W2, "b2": b2, "gamma2": gamma2, "beta2": beta2,
            "W3": W3, "b3": b3, "gamma3": gamma3, "beta3": beta3}


def reference(xyz, points, W1, b1, gamma1, beta1, W2, b2, gamma2, beta2, W3, b3, gamma3, beta3):
    # xyz [B,3,N], points [B,D,N]
    xyz_t = xyz.transpose(0, 2, 1)      # [B,N,3]
    pts_t = points.transpose(0, 2, 1)   # [B,N,D]
    fps_idx = jax.lax.stop_gradient(farthest_point_sample(xyz_t, NPOINT))  # [B,S]
    new_xyz = index_points(xyz_t, fps_idx)  # [B,S,3]
    idx = jax.lax.stop_gradient(query_ball_point(RADIUS, NSAMPLE, xyz_t, new_xyz))  # [B,S,K]
    grouped_xyz = index_points(xyz_t, idx)  # [B,S,K,3]
    grouped_xyz_norm = grouped_xyz - new_xyz[:, :, None, :]
    grouped_points = index_points(pts_t, idx)  # [B,S,K,D]
    x = jnp.concatenate([grouped_xyz_norm, grouped_points], axis=-1)  # [B,S,K,C+D]
    # shared MLP: 1x1 conv + BatchNorm (training-mode batch stats) + ReLU
    for W, b, g, bt in ((W1, b1, gamma1, beta1), (W2, b2, gamma2, beta2), (W3, b3, gamma3, beta3)):
        x = jnp.einsum('bskc,oc->bsko', x, W) + b
        mean = jnp.mean(x, axis=(0, 1, 2), keepdims=True)
        var = jnp.var(x, axis=(0, 1, 2), keepdims=True)
        x = (x - mean) / jnp.sqrt(var + EPS) * g + bt
        x = jax.nn.relu(x)
    new_points_out = jnp.max(x, axis=2)  # [B,S,128] (max over nsample)
    return new_xyz.transpose(0, 2, 1), new_points_out.transpose(0, 2, 1)

if __name__ == "__main__":
    import jax
    _d = setup_inputs()
    print(jax.jit(kernel)(*tuple(_d.values())))

</pallas_src>

<mosaic_0001>
#map = affine_map<(d0, d1) -> (0, 0)>
#map1 = affine_map<(d0, d1) -> (0, 0, 0)>
module attributes {stable_mosaic.version = 14 : i64} {
  func.func @_sc_gather_body(%arg0: i32, %arg1: i32, %arg2: memref<32768x16xf32, #tpu.memory_space<hbm>>, %arg3: memref<32x64x128xi32, #tpu.memory_space<hbm>>, %arg4: memref<262144x16xf32, #tpu.memory_space<hbm>>, %arg5: memref<64x128xi32, #tpu.memory_space<vmem>>, %arg6: memref<128x16xf32, #tpu.memory_space<vmem>>, %arg7: memref<128x16xf32, #tpu.memory_space<vmem>>, %arg8: memref<!tpu.dma_semaphore, #tpu.memory_space<semaphore_mem>>, %arg9: memref<!tpu.dma_semaphore, #tpu.memory_space<semaphore_mem>>) attributes {dimension_semantics = [#tpu.dimension_semantics<core_parallel>, #tpu.dimension_semantics<subcore_parallel>], iteration_bounds = array<i64: 2, 16>, scalar_prefetch = 0 : i64, scratch_operands = 5 : i64, tpu.core_type = #tpu.core_type<sc_vector_subcore>, window_params = [{transform_indices = #map}, {transform_indices = #map1}, {transform_indices = #map}]} {
    %mul3A = arith.constant 2 : i32
    %mul3A_0 = arith.muli %arg1, %mul3A : i32
    %add3A = arith.addi %mul3A_0, %arg0 : i32
    "tpu.region"() ({
      %run_scoped3A = tpu.sem_alloc : memref<!tpu.dma_semaphore, #tpu.memory_space<semaphore_mem>>
      %dma_start3A_14 = arith.constant 0 : i32
      %dma_start3A_15 = arith.constant 0 : i32
      %dma_start3A_16 = tpu.memref_slice %arg3[%add3A, %dma_start3A_14, %dma_start3A_15] : memref<32x64x128xi32, #tpu.memory_space<hbm>> -> memref<1x64x128xi32, #tpu.memory_space<hbm>>
      %dma_start3A_17 = tpu.memref_squeeze %dma_start3A_16 : memref<1x64x128xi32, #tpu.memory_space<hbm>> -> memref<64x128xi32, #tpu.memory_space<hbm>>
      %dma_start3A_18 = arith.constant 0 : i32
      %dma_start3A_19 = arith.constant 0 : i32
      %dma_start3A_20 = tpu.memref_slice %arg3[%add3A, %dma_start3A_18, %dma_start3A_19] : memref<32x64x128xi32, #tpu.memory_space<hbm>> -> memref<1x64x128xi32, #tpu.memory_space<hbm>>
      %dma_start3A_21 = tpu.memref_squeeze %dma_start3A_20 : memref<1x64x128xi32, #tpu.memory_space<hbm>> -> memref<64x128xi32, #tpu.memory_space<hbm>>
      tpu.enqueue_dma source(%dma_start3A_21 : memref<64x128xi32, #tpu.memory_space<hbm>>) target(%arg5 : memref<64x128xi32, #tpu.memory_space<vmem>>) target_semaphore(%run_scoped3A : memref<!tpu.dma_semaphore, #tpu.memory_space<semaphore_mem>>)
      %dma_wait3A = arith.constant 0 : i32
      %dma_wait3A_22 = arith.constant 0 : i32
      %dma_wait3A_23 = tpu.memref_slice %arg3[%add3A, %dma_wait3A, %dma_wait3A_22] : memref<32x64x128xi32, #tpu.memory_space<hbm>> -> memref<1x64x128xi32, #tpu.memory_space<hbm>>
      %dma_wait3A_24 = tpu.memref_squeeze %dma_wait3A_23 : memref<1x64x128xi32, #tpu.memory_space<hbm>> -> memref<64x128xi32, #tpu.memory_space<hbm>>
      %dma_wait3A_25 = arith.constant 0 : i32
      %dma_wait3A_26 = arith.constant 0 : i32
      %dma_wait3A_27 = tpu.memref_slice %arg3[%add3A, %dma_wait3A_25, %dma_wait3A_26] : memref<32x64x128xi32, #tpu.memory_space<hbm>> -> memref<1x64x128xi32, #tpu.memory_space<hbm>>
      %dma_wait3A_28 = tpu.memref_squeeze %dma_wait3A_27 : memref<1x64x128xi32, #tpu.memory_space<hbm>> -> memref<64x128xi32, #tpu.memory_space<hbm>>
      tpu.wait_dma2 semaphore(%run_scoped3A : memref<!tpu.dma_semaphore, #tpu.memory_space<semaphore_mem>>) src(%dma_wait3A_28 : memref<64x128xi32, #tpu.memory_space<hbm>>) dst(%arg5 : memref<64x128xi32, #tpu.memory_space<vmem>>)
      tpu.yield
    }) : () -> ()
    %mul3A_1 = arith.constant 8192 : i32
    %mul3A_2 = arith.muli %add3A, %mul3A_1 : i32
    %dma_start3A = arith.constant 0 : i32
    %dma_start3A_3 = arith.constant 0 : i32
    %dma_start3A_4 = tpu.memref_slice %arg5[%dma_start3A, %dma_start3A_3] : memref<64x128xi32, #tpu.memory_space<vmem>> -> memref<1x128xi32, #tpu.memory_space<vmem>>
    %dma_start3A_5 = tpu.memref_squeeze %dma_start3A_4 : memref<1x128xi32, #tpu.memory_space<vmem>> -> memref<128xi32, #tpu.memory_space<vmem>>
    %dma_start3A_6 = arith.constant 0 : i32
    %dma_start3A_7 = arith.constant 0 : i32
    %dma_start3A_8 = tpu.memref_slice %arg2[%dma_start3A_6, %dma_start3A_7] : memref<32768x16xf32, #tpu.memory_space<hbm>> -> memref<32768x16xf32, #tpu.memory_space<hbm>>
    tpu.enqueue_indirect_dma source(%dma_start3A_8 : memref<32768x16xf32, #tpu.memory_space<hbm>>) target(%arg6 : memref<128x16xf32, #tpu.memory_space<vmem>>) offsets(%dma_start3A_5 : memref<128xi32, #tpu.memory_space<vmem>>) semaphore(%arg8 : memref<!tpu.dma_semaphore, #tpu.memory_space<semaphore_mem>>)
    %scan3A = arith.constant 0 : i32
    %scan3A_9 = arith.constant 0 : i32
    %scan3A_10 = arith.constant 64 : i32
    %scan3A_11 = arith.addi %scan3A_9, %scan3A_10 : i32
    %scan3A_12 = arith.constant 1 : i32
    scf.for %scan3A_14 = %scan3A_9 to %scan3A_11 step %scan3A_12  : i32 {
      %jit3A = arith.constant 2 : i32
      %eq3A = arith.constant 0 : i32
      %eq3A_15 = arith.cmpi eq, %jit3A, %eq3A : i32
      %jit3A_16 = arith.constant 1 : i32
      %select_n3A = arith.select %eq3A_15, %jit3A_16, %jit3A : i32
      %rem3A = arith.remsi %scan3A_14, %select_n3A : i32
      %ne3A = arith.constant 0 : i32
      %ne3A_17 = arith.cmpi ne, %rem3A, %ne3A : i32
      %lt3A = arith.constant 0 : i32
      %lt3A_18 = arith.cmpi slt, %rem3A, %lt3A : i32
      %lt3A_19 = arith.constant 0 : i32
      %lt3A_20 = arith.cmpi slt, %select_n3A, %lt3A_19 : i32
      %ne3A_21 = arith.xori %lt3A_18, %lt3A_20 : i1
      %and3A = arith.andi %ne3A_21, %ne3A_17 : i1
      %add3A_22 = arith.addi %rem3A, %select_n3A : i32
      %select_n3A_23 = arith.select %and3A, %add3A_22, %rem3A : i32
      %eq3A_24 = arith.constant 0 : i32
      %eq3A_25 = arith.cmpi eq, %select_n3A_23, %eq3A_24 : i32
      %convert_element_type3A = arith.extui %eq3A_25 : i1 to i32
      %cond3A = arith.constant 0 : i32
      %cond3A_26 = arith.cmpi ne, %convert_element_type3A, %cond3A : i32
      scf.if %cond3A_26 {
        %add3A_48 = arith.constant 1 : i32
        %add3A_49 = arith.addi %scan3A_14, %add3A_48 : i32
        %lt3A_50 = arith.constant 64 : i32
        %lt3A_51 = arith.cmpi slt, %add3A_49, %lt3A_50 : i32
        %convert_element_type3A_52 = arith.extui %lt3A_51 : i1 to i32
        %cond3A_53 = arith.constant 0 : i32
        %cond3A_54 = arith.cmpi ne, %convert_element_type3A_52, %cond3A_53 : i32
        scf.if %cond3A_54 {
          %add3A_63 = arith.constant 1 : i32
          %add3A_64 = arith.addi %scan3A_14, %add3A_63 : i32
          %dma_start3A_65 = arith.constant 0 : i32
          %dma_start3A_66 = tpu.memref_slice %arg5[%add3A_64, %dma_start3A_65] : memref<64x128xi32, #tpu.memory_space<vmem>> -> memref<1x128xi32, #tpu.memory_space<vmem>>
          %dma_start3A_67 = tpu.memref_squeeze %dma_start3A_66 : memref<1x128xi32, #tpu.memory_space<vmem>> -> memref<128xi32, #tpu.memory_space<vmem>>
          %dma_start3A_68 = arith.constant 0 : i32
          %dma_start3A_69 = arith.constant 0 : i32
          %dma_start3A_70 = tpu.memref_slice %arg2[%dma_start3A_68, %dma_start3A_69] : memref<32768x16xf32, #tpu.memory_space<hbm>> -> memref<32768x16xf32, #tpu.memory_space<hbm>>
          tpu.enqueue_indirect_dma source(%dma_start3A_70 : memref<32768x16xf32, #tpu.memory_space<hbm>>) target(%arg7 : memref<128x16xf32, #tpu.memory_space<vmem>>) offsets(%dma_start3A_67 : memref<128xi32, #tpu.memory_space<vmem>>) semaphore(%arg9 : memref<!tpu.dma_semaphore, #tpu.memory_space<semaphore_mem>>)
        } else {
        }
        %dma_wait3A = arith.constant 0 : i32
        %dma_wait3A_55 = tpu.memref_slice %arg5[%scan3A_14, %dma_wait3A] : memref<64x128xi32, #tpu.memory_space<vmem>> -> memref<1x128xi32, #tpu.memory_space<vmem>>
        %dma_wait3A_56 = tpu.memref_squeeze %dma_wait3A_55 : memref<1x128xi32, #tpu.memory_space<vmem>> -> memref<128xi32, #tpu.memory_space<vmem>>
        %dma_wait3A_57 = arith.constant 0 : i32
        %dma_wait3A_58 = arith.constant 0 : i32
        %dma_wait3A_59 = tpu.memref_slice %arg2[%dma_wait3A_57, %dma_wait3A_58] : memref<32768x16xf32, #tpu.memory_space<hbm>> -> memref<32768x16xf32, #tpu.memory_space<hbm>>
        tpu.wait_indirect_dma semaphore(%arg8 : memref<!tpu.dma_semaphore, #tpu.memory_space<semaphore_mem>>) src(%dma_wait3A_59 : memref<32768x16xf32, #tpu.memory_space<hbm>>) dst(%arg6 : memref<128x16xf32, #tpu.memory_space<vmem>>)
        %mul3A_60 = arith.constant 128 : i32
        %mul3A_61 = arith.muli %scan3A_14, %mul3A_60 : i32
        %add3A_62 = arith.addi %mul3A_2, %mul3A_61 : i32
        "tpu.region"() ({
          %run_scoped3A = tpu.sem_alloc : memref<!tpu.dma_semaphore, #tpu.memory_space<semaphore_mem>>
          %dma_start3A_63 = arith.constant 0 : i32
          %dma_start3A_64 = tpu.memref_slice %arg4[%add3A_62, %dma_start3A_63] : memref<262144x16xf32, #tpu.memory_space<hbm>> -> memref<128x16xf32, #tpu.memory_space<hbm>>
          %dma_start3A_65 = arith.constant 0 : i32
          %dma_start3A_66 = tpu.memref_slice %arg4[%add3A_62, %dma_start3A_65] : memref<262144x16xf32, #tpu.memory_space<hbm>> -> memref<128x16xf32, #tpu.memory_space<hbm>>
          tpu.enqueue_dma source(%arg6 : memref<128x16xf32, #tpu.memory_space<vmem>>) target(%dma_start3A_66 : memref<128x16xf32, #tpu.memory_space<hbm>>) target_semaphore(%run_scoped3A : memref<!tpu.dma_semaphore, #tpu.memory_space<semaphore_mem>>)
          %dma_wait3A_67 = arith.constant 0 : i32
          %dma_wait3A_68 = tpu.memref_slice %arg4[%add3A_62, %dma_wait3A_67] : memref<262144x16xf32, #tpu.memory_space<hbm>> -> memref<128x16xf32, #tpu.memory_space<hbm>>
          %dma_wait3A_69 = arith.constant 0 : i32
          %dma_wait3A_70 = tpu.memref_slice %arg4[%add3A_62, %dma_wait3A_69] : memref<262144x16xf32, #tpu.memory_space<hbm>> -> memref<128x16xf32, #tpu.memory_space<hbm>>
          tpu.wait_dma2 semaphore(%run_scoped3A : memref<!tpu.dma_semaphore, #tpu.memory_space<semaphore_mem>>) src(%arg6 : memref<128x16xf32, #tpu.memory_space<vmem>>) dst(%dma_wait3A_70 : memref<128x16xf32, #tpu.memory_space<hbm>>)
          tpu.yield
        }) : () -> ()
      } else {
      }
      %jit3A_27 = arith.constant 2 : i32
      %eq3A_28 = arith.constant 0 : i32
      %eq3A_29 = arith.cmpi eq, %jit3A_27, %eq3A_28 : i32
      %jit3A_30 = arith.constant 1 : i32
      %select_n3A_31 = arith.select %eq3A_29, %jit3A_30, %jit3A_27 : i32
      %rem3A_32 = arith.remsi %scan3A_14, %select_n3A_31 : i32
      %ne3A_33 = arith.constant 0 : i32
      %ne3A_34 = arith.cmpi ne, %rem3A_32, %ne3A_33 : i32
      %lt3A_35 = arith.constant 0 : i32
      %lt3A_36 = arith.cmpi slt, %rem3A_32, %lt3A_35 : i32
      %lt3A_37 = arith.constant 0 : i32
      %lt3A_38 = arith.cmpi slt, %select_n3A_31, %lt3A_37 : i32
      %ne3A_39 = arith.xori %lt3A_36, %lt3A_38 : i1
      %and3A_40 = arith.andi %ne3A_39, %ne3A_34 : i1
      %add3A_41 = arith.addi %rem3A_32, %select_n3A_31 : i32
      %select_n3A_42 = arith.select %and3A_40, %add3A_41, %rem3A_32 : i32
      %eq3A_43 = arith.constant 1 : i32
      %eq3A_44 = arith.cmpi eq, %select_n3A_42, %eq3A_43 : i32
      %convert_element_type3A_45 = arith.extui %eq3A_44 : i1 to i32
      %cond3A_46 = arith.constant 0 : i32
      %cond3A_47 = arith.cmpi ne, %convert_element_type3A_45, %cond3A_46 : i32
      scf.if %cond3A_47 {
        %add3A_48 = arith.constant 1 : i32
        %add3A_49 = arith.addi %scan3A_14, %add3A_48 : i32
        %lt3A_50 = arith.constant 64 : i32
        %lt3A_51 = arith.cmpi slt, %add3A_49, %lt3A_50 : i32
        %convert_element_type3A_52 = arith.extui %lt3A_51 : i1 to i32
        %cond3A_53 = arith.constant 0 : i32
        %cond3A_54 = arith.cmpi ne, %convert_element_type3A_52, %cond3A_53 : i32
        scf.if %cond3A_54 {
          %add3A_63 = arith.constant 1 : i32
          %add3A_64 = arith.addi %scan3A_14, %add3A_63 : i32
          %dma_start3A_65 = arith.constant 0 : i32
          %dma_start3A_66 = tpu.memref_slice %arg5[%add3A_64, %dma_start3A_65] : memref<64x128xi32, #tpu.memory_space<vmem>> -> memref<1x128xi32, #tpu.memory_space<vmem>>
          %dma_start3A_67 = tpu.memref_squeeze %dma_start3A_66 : memref<1x128xi32, #tpu.memory_space<vmem>> -> memref<128xi32, #tpu.memory_space<vmem>>
          %dma_start3A_68 = arith.constant 0 : i32
          %dma_start3A_69 = arith.constant 0 : i32
          %dma_start3A_70 = tpu.memref_slice %arg2[%dma_start3A_68, %dma_start3A_69] : memref<32768x16xf32, #tpu.memory_space<hbm>> -> memref<32768x16xf32, #tpu.memory_space<hbm>>
          tpu.enqueue_indirect_dma source(%dma_start3A_70 : memref<32768x16xf32, #tpu.memory_space<hbm>>) target(%arg6 : memref<128x16xf32, #tpu.memory_space<vmem>>) offsets(%dma_start3A_67 : memref<128xi32, #tpu.memory_space<vmem>>) semaphore(%arg8 : memref<!tpu.dma_semaphore, #tpu.memory_space<semaphore_mem>>)
        } else {
        }
        %dma_wait3A = arith.constant 0 : i32
        %dma_wait3A_55 = tpu.memref_slice %arg5[%scan3A_14, %dma_wait3A] : memref<64x128xi32, #tpu.memory_space<vmem>> -> memref<1x128xi32, #tpu.memory_space<vmem>>
        %dma_wait3A_56 = tpu.memref_squeeze %dma_wait3A_55 : memref<1x128xi32, #tpu.memory_space<vmem>> -> memref<128xi32, #tpu.memory_space<vmem>>
        %dma_wait3A_57 = arith.constant 0 : i32
        %dma_wait3A_58 = arith.constant 0 : i32
        %dma_wait3A_59 = tpu.memref_slice %arg2[%dma_wait3A_57, %dma_wait3A_58] : memref<32768x16xf32, #tpu.memory_space<hbm>> -> memref<32768x16xf32, #tpu.memory_space<hbm>>
        tpu.wait_indirect_dma semaphore(%arg9 : memref<!tpu.dma_semaphore, #tpu.memory_space<semaphore_mem>>) src(%dma_wait3A_59 : memref<32768x16xf32, #tpu.memory_space<hbm>>) dst(%arg7 : memref<128x16xf32, #tpu.memory_space<vmem>>)
        %mul3A_60 = arith.constant 128 : i32
        %mul3A_61 = arith.muli %scan3A_14, %mul3A_60 : i32
        %add3A_62 = arith.addi %mul3A_2, %mul3A_61 : i32
        "tpu.region"() ({
          %run_scoped3A = tpu.sem_alloc : memref<!tpu.dma_semaphore, #tpu.memory_space<semaphore_mem>>
          %dma_start3A_63 = arith.constant 0 : i32
          %dma_start3A_64 = tpu.memref_slice %arg4[%add3A_62, %dma_start3A_63] : memref<262144x16xf32, #tpu.memory_space<hbm>> -> memref<128x16xf32, #tpu.memory_space<hbm>>
          %dma_start3A_65 = arith.constant 0 : i32
          %dma_start3A_66 = tpu.memref_slice %arg4[%add3A_62, %dma_start3A_65] : memref<262144x16xf32, #tpu.memory_space<hbm>> -> memref<128x16xf32, #tpu.memory_space<hbm>>
          tpu.enqueue_dma source(%arg7 : memref<128x16xf32, #tpu.memory_space<vmem>>) target(%dma_start3A_66 : memref<128x16xf32, #tpu.memory_space<hbm>>) target_semaphore(%run_scoped3A : memref<!tpu.dma_semaphore, #tpu.memory_space<semaphore_mem>>)
          %dma_wait3A_67 = arith.constant 0 : i32
          %dma_wait3A_68 = tpu.memref_slice %arg4[%add3A_62, %dma_wait3A_67] : memref<262144x16xf32, #tpu.memory_space<hbm>> -> memref<128x16xf32, #tpu.memory_space<hbm>>
          %dma_wait3A_69 = arith.constant 0 : i32
          %dma_wait3A_70 = tpu.memref_slice %arg4[%add3A_62, %dma_wait3A_69] : memref<262144x16xf32, #tpu.memory_space<hbm>> -> memref<128x16xf32, #tpu.memory_space<hbm>>
          tpu.wait_dma2 semaphore(%run_scoped3A : memref<!tpu.dma_semaphore, #tpu.memory_space<semaphore_mem>>) src(%arg7 : memref<128x16xf32, #tpu.memory_space<vmem>>) dst(%dma_wait3A_70 : memref<128x16xf32, #tpu.memory_space<hbm>>)
          tpu.yield
        }) : () -> ()
      } else {
      }
    }
    %scan3A_13 = arith.constant 64 : i32
    return
  }
}

module attributes {stable_mosaic.version = 14 : i64} {
  func.func @_fps_body(%arg0: memref<3x8x4096xf32, #tpu.memory_space<vmem>>, %arg1: memref<8x1024xf32, #tpu.memory_space<vmem>>, %arg2: memref<8x1024xf32, #tpu.memory_space<vmem>>, %arg3: memref<8x1024xf32, #tpu.memory_space<vmem>>) attributes {dimension_semantics = [], scalar_prefetch = 0 : i64, scratch_operands = 0 : i64, tpu.core_type = #tpu.core_type<tc>} {
    %get3A = arith.constant 0 : index
    %get3A_0 = arith.constant 0 : index
    %get3A_1 = arith.constant 0 : index
    %get3A_2 = vector.load %arg0[%get3A, %get3A_0, %get3A_1] : memref<3x8x4096xf32, #tpu.memory_space<vmem>>, vector<1x8x4096xf32>
    %get3A_3 = vector.shape_cast %get3A_2 : vector<1x8x4096xf32> to vector<8x4096xf32>
    %get3A_4 = arith.constant 1 : index
    %get3A_5 = arith.constant 0 : index
    %get3A_6 = arith.constant 0 : index
    %get3A_7 = vector.load %arg0[%get3A_4, %get3A_5, %get3A_6] : memref<3x8x4096xf32, #tpu.memory_space<vmem>>, vector<1x8x4096xf32>
    %get3A_8 = vector.shape_cast %get3A_7 : vector<1x8x4096xf32> to vector<8x4096xf32>
    %get3A_9 = arith.constant 2 : index
    %get3A_10 = arith.constant 0 : index
    %get3A_11 = arith.constant 0 : index
    %get3A_12 = vector.load %arg0[%get3A_9, %get3A_10, %get3A_11] : memref<3x8x4096xf32, #tpu.memory_space<vmem>>, vector<1x8x4096xf32>
    %get3A_13 = vector.shape_cast %get3A_12 : vector<1x8x4096xf32> to vector<8x4096xf32>
    %iota3A = tpu.iota {dimensions = array<i32: 1>} : vector<8x4096xi32>
    %iota3A_14 = tpu.iota {dimensions = array<i32: 1>} : vector<8x1024xi32>
    %broadcast_in_dim3A = arith.constant 1.000000e+10 : f32
    %broadcast_in_dim3A_15 = vector.broadcast %broadcast_in_dim3A : f32 to vector<8x4096xf32>
    %broadcast_in_dim3A_16 = arith.constant 0 : i32
    %broadcast_in_dim3A_17 = vector.broadcast %broadcast_in_dim3A_16 : i32 to vector<8x1xi32>
    %broadcast_in_dim3A_18 = arith.constant 0.000000e+00 : f32
    %broadcast_in_dim3A_19 = vector.broadcast %broadcast_in_dim3A_18 : f32 to vector<8x1024xf32>
    %broadcast_in_dim3A_20 = arith.constant 0.000000e+00 : f32
    %broadcast_in_dim3A_21 = vector.broadcast %broadcast_in_dim3A_20 : f32 to vector<8x1024xf32>
    %broadcast_in_dim3A_22 = arith.constant 0.000000e+00 : f32
    %broadcast_in_dim3A_23 = vector.broadcast %broadcast_in_dim3A_22 : f32 to vector<8x1024xf32>
    %scan3A = arith.constant 0 : i32
    %scan3A_24 = arith.constant 1024 : i32
    %scan3A_25 = arith.addi %scan3A, %scan3A_24 : i32
    %scan3A_26 = arith.constant 1 : i32
    %scan3A_27:5 = scf.for %scan3A_37 = %scan3A to %scan3A_25 step %scan3A_26 iter_args(%scan3A_38 = %broadcast_in_dim3A_15, %scan3A_39 = %broadcast_in_dim3A_17, %scan3A_40 = %broadcast_in_dim3A_19, %scan3A_41 = %broadcast_in_dim3A_21, %scan3A_42 = %broadcast_in_dim3A_23) -> (vector<8x4096xf32>, vector<8x1xi32>, vector<8x1024xf32>, vector<8x1024xf32>, vector<8x1024xf32>)  : i32 {
      %eq3A = vector.broadcast %scan3A_39 : vector<8x1xi32> to vector<8x4096xi32>
      %eq3A_43 = arith.cmpi eq, %iota3A, %eq3A : vector<8x4096xi32>
      %jit3A = arith.constant 0.000000e+00 : f32
      %broadcast_in_dim3A_44 = vector.broadcast %jit3A : f32 to vector<8x4096xf32>
      %select_n3A = arith.select %eq3A_43, %get3A_3, %broadcast_in_dim3A_44 : vector<8x4096xi1>, vector<8x4096xf32>
      %reduce_sum3A = arith.constant dense<0.000000e+00> : vector<8xf32>
      %reduce_sum3A_45 = vector.multi_reduction <add>, %select_n3A, %reduce_sum3A [1] : vector<8x4096xf32> to vector<8xf32>
      %broadcast_in_dim3A_46 = vector.shape_cast %reduce_sum3A_45 : vector<8xf32> to vector<8x1xf32>
      %jit3A_47 = arith.constant 0.000000e+00 : f32
      %broadcast_in_dim3A_48 = vector.broadcast %jit3A_47 : f32 to vector<8x4096xf32>
      %select_n3A_49 = arith.select %eq3A_43, %get3A_8, %broadcast_in_dim3A_48 : vector<8x4096xi1>, vector<8x4096xf32>
      %reduce_sum3A_50 = arith.constant dense<0.000000e+00> : vector<8xf32>
      %reduce_sum3A_51 = vector.multi_reduction <add>, %select_n3A_49, %reduce_sum3A_50 [1] : vector<8x4096xf32> to vector<8xf32>
      %broadcast_in_dim3A_52 = vector.shape_cast %reduce_sum3A_51 : vector<8xf32> to vector<8x1xf32>
      %jit3A_53 = arith.constant 0.000000e+00 : f32
      %broadcast_in_dim3A_54 = vector.broadcast %jit3A_53 : f32 to vector<8x4096xf32>
      %select_n3A_55 = arith.select %eq3A_43, %get3A_13, %broadcast_in_dim3A_54 : vector<8x4096xi1>, vector<8x4096xf32>
      %reduce_sum3A_56 = arith.constant dense<0.000000e+00> : vector<8xf32>
      %reduce_sum3A_57 = vector.multi_reduction <add>, %select_n3A_55, %reduce_sum3A_56 [1] : vector<8x4096xf32> to vector<8xf32>
      %broadcast_in_dim3A_58 = vector.shape_cast %reduce_sum3A_57 : vector<8xf32> to vector<8x1xf32>
      %eq3A_59 = vector.broadcast %scan3A_37 : i32 to vector<8x1024xi32>
      %eq3A_60 = arith.cmpi eq, %iota3A_14, %eq3A_59 : vector<8x1024xi32>
      %broadcast_in_dim3A_61 = vector.shape_cast %broadcast_in_dim3A_46 : vector<8x1xf32> to vector<8x1xf32>
      %broadcast_in_dim3A_62 = vector.broadcast %broadcast_in_dim3A_61 : vector<8x1xf32> to vector<8x1024xf32>
      %select_n3A_63 = arith.select %eq3A_60, %broadcast_in_dim3A_62, %scan3A_40 : vector<8x1024xi1>, vector<8x1024xf32>
      %broadcast_in_dim3A_64 = vector.shape_cast %broadcast_in_dim3A_52 : vector<8x1xf32> to vector<8x1xf32>
      %broadcast_in_dim3A_65 = vector.broadcast %broadcast_in_dim3A_64 : vector<8x1xf32> to vector<8x1024xf32>
      %select_n3A_66 = arith.select %eq3A_60, %broadcast_in_dim3A_65, %scan3A_41 : vector<8x1024xi1>, vector<8x1024xf32>
      %broadcast_in_dim3A_67 = vector.shape_cast %broadcast_in_dim3A_58 : vector<8x1xf32> to vector<8x1xf32>
      %broadcast_in_dim3A_68 = vector.broadcast %broadcast_in_dim3A_67 : vector<8x1xf32> to vector<8x1024xf32>
      %select_n3A_69 = arith.select %eq3A_60, %broadcast_in_dim3A_68, %scan3A_42 : vector<8x1024xi1>, vector<8x1024xf32>
      %sub3A = vector.broadcast %broadcast_in_dim3A_46 : vector<8x1xf32> to vector<8x4096xf32>
      %sub3A_70 = arith.subf %get3A_3, %sub3A : vector<8x4096xf32>
      %sub3A_71 = vector.broadcast %broadcast_in_dim3A_52 : vector<8x1xf32> to vector<8x4096xf32>
      %sub3A_72 = arith.subf %get3A_8, %sub3A_71 : vector<8x4096xf32>
      %sub3A_73 = vector.broadcast %broadcast_in_dim3A_58 : vector<8x1xf32> to vector<8x4096xf32>
      %sub3A_74 = arith.subf %get3A_13, %sub3A_73 : vector<8x4096xf32>
      %mul3A = arith.mulf %sub3A_70, %sub3A_70 : vector<8x4096xf32>
      %mul3A_75 = arith.mulf %sub3A_72, %sub3A_72 : vector<8x4096xf32>
      %add3A = arith.addf %mul3A, %mul3A_75 : vector<8x4096xf32>
      %mul3A_76 = arith.mulf %sub3A_74, %sub3A_74 : vector<8x4096xf32>
      %add3A_77 = arith.addf %add3A, %mul3A_76 : vector<8x4096xf32>
      %min3A = arith.minimumf %scan3A_38, %add3A_77 : vector<8x4096xf32>
      %reduce_max3A = arith.constant dense<0xFF800000> : vector<8xf32>
      %reduce_max3A_78 = vector.multi_reduction <maximumf>, %min3A, %reduce_max3A [1] : vector<8x4096xf32> to vector<8xf32>
      %broadcast_in_dim3A_79 = vector.shape_cast %reduce_max3A_78 : vector<8xf32> to vector<8x1xf32>
      %eq3A_80 = vector.broadcast %broadcast_in_dim3A_79 : vector<8x1xf32> to vector<8x4096xf32>
      %eq3A_81 = arith.cmpf oeq, %min3A, %eq3A_80 : vector<8x4096xf32>
      %jit3A_82 = arith.constant 4096 : i32
      %broadcast_in_dim3A_83 = vector.broadcast %jit3A_82 : i32 to vector<8x4096xi32>
      %select_n3A_84 = arith.select %eq3A_81, %iota3A, %broadcast_in_dim3A_83 : vector<8x4096xi1>, vector<8x4096xi32>
      %reduce_min3A = arith.constant dense<2147483647> : vector<8xi32>
      %reduce_min3A_85 = vector.multi_reduction <minsi>, %select_n3A_84, %reduce_min3A [1] : vector<8x4096xi32> to vector<8xi32>
      %broadcast_in_dim3A_86 = vector.shape_cast %reduce_min3A_85 : vector<8xi32> to vector<8x1xi32>
      scf.yield %min3A, %broadcast_in_dim3A_86, %select_n3A_63, %select_n3A_66, %select_n3A_69 : vector<8x4096xf32>, vector<8x1xi32>, vector<8x1024xf32>, vector<8x1024xf32>, vector<8x1024xf32>
    }
    %scan3A_28 = arith.constant 1024 : i32
    %swap3A = arith.constant 0 : index
    %swap3A_29 = arith.constant 0 : index
    %swap3A_30 = vector.load %arg1[%swap3A, %swap3A_29] : memref<8x1024xf32, #tpu.memory_space<vmem>>, vector<8x1024xf32>
    tpu.vector_store %arg1[%swap3A, %swap3A_29], %scan3A_27#2 {strides = array<i32>} : memref<8x1024xf32, #tpu.memory_space<vmem>>, vector<8x1024xf32>,
    %swap3A_31 = arith.constant 0 : index
    %swap3A_32 = arith.constant 0 : index
    %swap3A_33 = vector.load %arg2[%swap3A_31, %swap3A_32] : memref<8x1024xf32, #tpu.memory_space<vmem>>, vector<8x1024xf32>
    tpu.vector_store %arg2[%swap3A_31, %swap3A_32], %scan3A_27#3 {strides = array<i32>} : memref<8x1024xf32, #tpu.memory_space<vmem>>, vector<8x1024xf32>,
    %swap3A_34 = arith.constant 0 : index
    %swap3A_35 = arith.constant 0 : index
    %swap3A_36 = vector.load %arg3[%swap3A_34, %swap3A_35] : memref<8x1024xf32, #tpu.memory_space<vmem>>, vector<8x1024xf32>
    tpu.vector_store %arg3[%swap3A_34, %swap3A_35], %scan3A_27#4 {strides = array<i32>} : memref<8x1024xf32, #tpu.memory_space<vmem>>, vector<8x1024xf32>,
    return
  }
}

module attributes {stable_mosaic.version = 14 : i64} {
  func.func @_bq_select_body(%arg0: i32, %arg1: memref<1x8x4096xf32, #tpu.memory_space<vmem>>, %arg2: memref<256x8xf32, #tpu.memory_space<vmem>>, %arg3: memref<256x32xi32, #tpu.memory_space<vmem>>) attributes {dimension_semantics = [#tpu.dimension_semantics<arbitrary>], iteration_bounds = array<i64: 32>, scalar_prefetch = 0 : i64, scratch_operands = 0 : i64, tpu.core_type = #tpu.core_type<tc>, window_params = [{transform_indices = @transform_0, window_bounds = array<i64: 1, 8, 4096>}, {transform_indices = @transform_1, window_bounds = array<i64: 256, 8>}, {transform_indices = @transform_2, window_bounds = array<i64: 256, 32>}]} {
    %get3A = arith.constant 0 : index
    %get3A_0 = arith.constant 0 : index
    %get3A_1 = arith.constant 0 : index
    %get3A_2 = vector.load %arg1[%get3A, %get3A_0, %get3A_1] : memref<1x8x4096xf32, #tpu.memory_space<vmem>>, vector<1x8x4096xf32>
    %get3A_3 = vector.shape_cast %get3A_2 : vector<1x8x4096xf32> to vector<8x4096xf32>
    %mul3A = arith.mulf %get3A_3, %get3A_3 : vector<8x4096xf32>
    %reduce_sum3A = arith.constant dense<0.000000e+00> : vector<4096xf32>
    %reduce_sum3A_4 = vector.multi_reduction <add>, %mul3A, %reduce_sum3A [0] : vector<8x4096xf32> to vector<4096xf32>
    %broadcast_in_dim3A = vector.shape_cast %reduce_sum3A_4 : vector<4096xf32> to vector<1x4096xf32>
    %get3A_5 = arith.constant 0 : index
    %get3A_6 = arith.constant 0 : index
    %get3A_7 = vector.load %arg2[%get3A_5, %get3A_6] : memref<256x8xf32, #tpu.memory_space<vmem>>, vector<256x8xf32>
    %mul3A_8 = arith.mulf %get3A_7, %get3A_7 : vector<256x8xf32>
    %reduce_sum3A_9 = arith.constant dense<0.000000e+00> : vector<256xf32>
    %reduce_sum3A_10 = vector.multi_reduction <add>, %mul3A_8, %reduce_sum3A_9 [1] : vector<256x8xf32> to vector<256xf32>
    %broadcast_in_dim3A_11 = vector.shape_cast %reduce_sum3A_10 : vector<256xf32> to vector<256x1xf32>
    %dot_general3A = arith.constant dense<0.000000e+00> : vector<256x4096xf32>
    %dot_general3A_12 = tpu.matmul %get3A_7, %get3A_3, %dot_general3A {dimension_numbers = #tpu.dot_dimension_numbers<[1], [0], [0], [1], [0, 0, 1, 1], [], []>, transpose_lhs_hint = false} : vector<256x8xf32>, vector<8x4096xf32>, vector<256x4096xf32> -> vector<256x4096xf32>
    %add3A = vector.broadcast %broadcast_in_dim3A_11 : vector<256x1xf32> to vector<256x4096xf32>
    %add3A_13 = vector.broadcast %broadcast_in_dim3A : vector<1x4096xf32> to vector<256x4096xf32>
    %add3A_14 = arith.addf %add3A, %add3A_13 : vector<256x4096xf32>
    %mul3A_15 = arith.constant 2.000000e+00 : f32
    %mul3A_16 = vector.broadcast %mul3A_15 : f32 to vector<256x4096xf32>
    %mul3A_17 = arith.mulf %mul3A_16, %dot_general3A_12 : vector<256x4096xf32>
    %sub3A = arith.subf %add3A_14, %mul3A_17 : vector<256x4096xf32>
    %iota3A = tpu.iota {dimensions = array<i32: 1>} : vector<256x4096xi32>
    %le3A = arith.constant 4.000000e-02 : f32
    %le3A_18 = vector.broadcast %le3A : f32 to vector<256x4096xf32>
    %le3A_19 = arith.cmpf ole, %sub3A, %le3A_18 : vector<256x4096xf32>
    %add3A_20 = arith.constant 4096 : i32
    %add3A_21 = vector.broadcast %add3A_20 : i32 to vector<256x4096xi32>
    %add3A_22 = arith.addi %iota3A, %add3A_21 : vector<256x4096xi32>
    %select_n3A = arith.select %le3A_19, %iota3A, %add3A_22 : vector<256x4096xi1>, vector<256x4096xi32>
    %reduce_min3A = arith.constant dense<2147483647> : vector<256xi32>
    %reduce_min3A_23 = vector.multi_reduction <minsi>, %select_n3A, %reduce_min3A [1] : vector<256x4096xi32> to vector<256xi32>
    %broadcast_in_dim3A_24 = vector.shape_cast %reduce_min3A_23 : vector<256xi32> to vector<256x1xi32>
    %eq3A = vector.broadcast %broadcast_in_dim3A_24 : vector<256x1xi32> to vector<256x4096xi32>
    %eq3A_25 = arith.cmpi eq, %select_n3A, %eq3A : vector<256x4096xi32>
    %add3A_26 = arith.constant 8192 : i32
    %add3A_27 = vector.broadcast %add3A_26 : i32 to vector<256x4096xi32>
    %add3A_28 = arith.addi %select_n3A, %add3A_27 : vector<256x4096xi32>
    %select_n3A_29 = arith.select %eq3A_25, %add3A_28, %select_n3A : vector<256x4096xi1>, vector<256x4096xi32>
    %reduce_min3A_30 = arith.constant dense<2147483647> : vector<256xi32>
    %reduce_min3A_31 = vector.multi_reduction <minsi>, %select_n3A_29, %reduce_min3A_30 [1] : vector<256x4096xi32> to vector<256xi32>
    %broadcast_in_dim3A_32 = vector.shape_cast %reduce_min3A_31 : vector<256xi32> to vector<256x1xi32>
    %eq3A_33 = vector.broadcast %broadcast_in_dim3A_32 : vector<256x1xi32> to vector<256x4096xi32>
    %eq3A_34 = arith.cmpi eq, %select_n3A_29, %eq3A_33 : vector<256x4096xi32>
    %add3A_35 = arith.constant 8192 : i32
    %add3A_36 = vector.broadcast %add3A_35 : i32 to vector<256x4096xi32>
    %add3A_37 = arith.addi %select_n3A_29, %add3A_36 : vector<256x4096xi32>
    %select_n3A_38 = arith.select %eq3A_34, %add3A_37, %select_n3A_29 : vector<256x4096xi1>, vector<256x4096xi32>
    %reduce_min3A_39 = arith.constant dense<2147483647> : vector<256xi32>
    %reduce_min3A_40 = vector.multi_reduction <minsi>, %select_n3A_38, %reduce_min3A_39 [1] : vector<256x4096xi32> to vector<256xi32>
    %broadcast_in_dim3A_41 = vector.shape_cast %reduce_min3A_40 : vector<256xi32> to vector<256x1xi32>
    %eq3A_42 = vector.broadcast %broadcast_in_dim3A_41 : vector<256x1xi32> to vector<256x4096xi32>
    %eq3A_43 = arith.cmpi eq, %select_n3A_38, %eq3A_42 : vector<256x4096xi32>
    %add3A_44 = arith.constant 8192 : i32
    %add3A_45 = vector.broadcast %add3A_44 : i32 to vector<256x4096xi32>
    %add3A_46 = arith.addi %select_n3A_38, %add3A_45 : vector<256x4096xi32>
    %select_n3A_47 = arith.select %eq3A_43, %add3A_46, %select_n3A_38 : vector<256x4096xi1>, vector<256x4096xi32>
    %reduce_min3A_48 = arith.constant dense<2147483647> : vector<256xi32>
    %reduce_min3A_49 = vector.multi_reduction <minsi>, %select_n3A_47, %reduce_min3A_48 [1] : vector<256x4096xi32> to vector<256xi32>
    %broadcast_in_dim3A_50 = vector.shape_cast %reduce_min3A_49 : vector<256xi32> to vector<256x1xi32>
    %eq3A_51 = vector.broadcast %broadcast_in_dim3A_50 : vector<256x1xi32> to vector<256x4096xi32>
    %eq3A_52 = arith.cmpi eq, %select_n3A_47, %eq3A_51 : vector<256x4096xi32>
    %add3A_53 = arith.constant 8192 : i32
    %add3A_54 = vector.broadcast %add3A_53 : i32 to vector<256x4096xi32>
    %add3A_55 = arith.addi %select_n3A_47, %add3A_54 : vector<256x4096xi32>
    %select_n3A_56 = arith.select %eq3A_52, %add3A_55, %select_n3A_47 : vector<256x4096xi1>, vector<256x4096xi32>
    %reduce_min3A_57 = arith.constant dense<2147483647> : vector<256xi32>
    %reduce_min3A_58 = vector.multi_reduction <minsi>, %select_n3A_56, %reduce_min3A_57 [1] : vector<256x4096xi32> to vector<256xi32>
    %broadcast_in_dim3A_59 = vector.shape_cast %reduce_min3A_58 : vector<256xi32> to vector<256x1xi32>
    %eq3A_60 = vector.broadcast %broadcast_in_dim3A_59 : vector<256x1xi32> to vector<256x4096xi32>
    %eq3A_61 = arith.cmpi eq, %select_n3A_56, %eq3A_60 : vector<256x4096xi32>
    %add3A_62 = arith.constant 8192 : i32
    %add3A_63 = vector.broadcast %add3A_62 : i32 to vector<256x4096xi32>
    %add3A_64 = arith.addi %select_n3A_56, %add3A_63 : vector<256x4096xi32>
    %select_n3A_65 = arith.select %eq3A_61, %add3A_64, %select_n3A_56 : vector<256x4096xi1>, vector<256x4096xi32>
    %reduce_min3A_66 = arith.constant dense<2147483647> : vector<256xi32>
    %reduce_min3A_67 = vector.multi_reduction <minsi>, %select_n3A_65, %reduce_min3A_66 [1] : vector<256x4096xi32> to vector<256xi32>
    %broadcast_in_dim3A_68 = vector.shape_cast %reduce_min3A_67 : vector<256xi32> to vector<256x1xi32>
    %eq3A_69 = vector.broadcast %broadcast_in_dim3A_68 : vector<256x1xi32> to vector<256x4096xi32>
    %eq3A_70 = arith.cmpi eq, %select_n3A_65, %eq3A_69 : vector<256x4096xi32>
    %add3A_71 = arith.constant 8192 : i32
    %add3A_72 = vector.broadcast %add3A_71 : i32 to vector<256x4096xi32>
    %add3A_73 = arith.addi %select_n3A_65, %add3A_72 : vector<256x4096xi32>
    %select_n3A_74 = arith.select %eq3A_70, %add3A_73, %select_n3A_65 : vector<256x4096xi1>, vector<256x4096xi32>
    %reduce_min3A_75 = arith.constant dense<2147483647> : vector<256xi32>
    %reduce_min3A_76 = vector.multi_reduction <minsi>, %select_n3A_74, %reduce_min3A_75 [1] : vector<256x4096xi32> to vector<256xi32>
    %broadcast_in_dim3A_77 = vector.shape_cast %reduce_min3A_76 : vector<256xi32> to vector<256x1xi32>
    %eq3A_78 = vector.broadcast %broadcast_in_dim3A_77 : vector<256x1xi32> to vector<256x4096xi32>
    %eq3A_79 = arith.cmpi eq, %select_n3A_74, %eq3A_78 : vector<256x4096xi32>
    %add3A_80 = arith.constant 8192 : i32
    %add3A_81 = vector.broadcast %add3A_80 : i32 to vector<256x4096xi32>
    %add3A_82 = arith.addi %select_n3A_74, %add3A_81 : vector<256x4096xi32>
    %select_n3A_83 = arith.select %eq3A_79, %add3A_82, %select_n3A_74 : vector<256x4096xi1>, vector<256x4096xi32>
    %reduce_min3A_84 = arith.constant dense<2147483647> : vector<256xi32>
    %reduce_min3A_85 = vector.multi_reduction <minsi>, %select_n3A_83, %reduce_min3A_84 [1] : vector<256x4096xi32> to vector<256xi32>
    %broadcast_in_dim3A_86 = vector.shape_cast %reduce_min3A_85 : vector<256xi32> to vector<256x1xi32>
    %eq3A_87 = vector.broadcast %broadcast_in_dim3A_86 : vector<256x1xi32> to vector<256x4096xi32>
    %eq3A_88 = arith.cmpi eq, %select_n3A_83, %eq3A_87 : vector<256x4096xi32>
    %add3A_89 = arith.constant 8192 : i32
    %add3A_90 = vector.broadcast %add3A_89 : i32 to vector<256x4096xi32>
    %add3A_91 = arith.addi %select_n3A_83, %add3A_90 : vector<256x4096xi32>
    %select_n3A_92 = arith.select %eq3A_88, %add3A_91, %select_n3A_83 : vector<256x4096xi1>, vector<256x4096xi32>
    %reduce_min3A_93 = arith.constant dense<2147483647> : vector<256xi32>
    %reduce_min3A_94 = vector.multi_reduction <minsi>, %select_n3A_92, %reduce_min3A_93 [1] : vector<256x4096xi32> to vector<256xi32>
    %broadcast_in_dim3A_95 = vector.shape_cast %reduce_min3A_94 : vector<256xi32> to vector<256x1xi32>
    %eq3A_96 = vector.broadcast %broadcast_in_dim3A_95 : vector<256x1xi32> to vector<256x4096xi32>
    %eq3A_97 = arith.cmpi eq, %select_n3A_92, %eq3A_96 : vector<256x4096xi32>
    %add3A_98 = arith.constant 8192 : i32
    %add3A_99 = vector.broadcast %add3A_98 : i32 to vector<256x4096xi32>
    %add3A_100 = arith.addi %select_n3A_92, %add3A_99 : vector<256x4096xi32>
    %select_n3A_101 = arith.select %eq3A_97, %add3A_100, %select_n3A_92 : vector<256x4096xi1>, vector<256x4096xi32>
    %reduce_min3A_102 = arith.constant dense<2147483647> : vector<256xi32>
    %reduce_min3A_103 = vector.multi_reduction <minsi>, %select_n3A_101, %reduce_min3A_102 [1] : vector<256x4096xi32> to vector<256xi32>
    %broadcast_in_dim3A_104 = vector.shape_cast %reduce_min3A_103 : vector<256xi32> to vector<256x1xi32>
    %eq3A_105 = vector.broadcast %broadcast_in_dim3A_104 : vector<256x1xi32> to vector<256x4096xi32>
    %eq3A_106 = arith.cmpi eq, %select_n3A_101, %eq3A_105 : vector<256x4096xi32>
    %add3A_107 = arith.constant 8192 : i32
    %add3A_108 = vector.broadcast %add3A_107 : i32 to vector<256x4096xi32>
    %add3A_109 = arith.addi %select_n3A_101, %add3A_108 : vector<256x4096xi32>
    %select_n3A_110 = arith.select %eq3A_106, %add3A_109, %select_n3A_101 : vector<256x4096xi1>, vector<256x4096xi32>
    %reduce_min3A_111 = arith.constant dense<2147483647> : vector<256xi32>
    %reduce_min3A_112 = vector.multi_reduction <minsi>, %select_n3A_110, %reduce_min3A_111 [1] : vector<256x4096xi32> to vector<256xi32>
    %broadcast_in_dim3A_113 = vector.shape_cast %reduce_min3A_112 : vector<256xi32> to vector<256x1xi32>
    %eq3A_114 = vector.broadcast %broadcast_in_dim3A_113 : vector<256x1xi32> to vector<256x4096xi32>
    %eq3A_115 = arith.cmpi eq, %select_n3A_110, %eq3A_114 : vector<256x4096xi32>
    %add3A_116 = arith.constant 8192 : i32
    %add3A_117 = vector.broadcast %add3A_116 : i32 to vector<256x4096xi32>
    %add3A_118 = arith.addi %select_n3A_110, %add3A_117 : vector<256x4096xi32>
    %select_n3A_119 = arith.select %eq3A_115, %add3A_118, %select_n3A_110 : vector<256x4096xi1>, vector<256x4096xi32>
    %reduce_min3A_120 = arith.constant dense<2147483647> : vector<256xi32>
    %reduce_min3A_121 = vector.multi_reduction <minsi>, %select_n3A_119, %reduce_min3A_120 [1] : vector<256x4096xi32> to vector<256xi32>
    %broadcast_in_dim3A_122 = vector.shape_cast %reduce_min3A_121 : vector<256xi32> to vector<256x1xi32>
    %eq3A_123 = vector.broadcast %broadcast_in_dim3A_122 : vector<256x1xi32> to vector<256x4096xi32>
    %eq3A_124 = arith.cmpi eq, %select_n3A_119, %eq3A_123 : vector<256x4096xi32>
    %add3A_125 = arith.constant 8192 : i32
    %add3A_126 = vector.broadcast %add3A_125 : i32 to vector<256x4096xi32>
    %add3A_127 = arith.addi %select_n3A_119, %add3A_126 : vector<256x4096xi32>
    %select_n3A_128 = arith.select %eq3A_124, %add3A_127, %select_n3A_119 : vector<256x4096xi1>, vector<256x4096xi32>
    %reduce_min3A_129 = arith.constant dense<2147483647> : vector<256xi32>
    %reduce_min3A_130 = vector.multi_reduction <minsi>, %select_n3A_128, %reduce_min3A_129 [1] : vector<256x4096xi32> to vector<256xi32>
    %broadcast_in_dim3A_131 = vector.shape_cast %reduce_min3A_130 : vector<256xi32> to vector<256x1xi32>
    %eq3A_132 = vector.broadcast %broadcast_in_dim3A_131 : vector<256x1xi32> to vector<256x4096xi32>
    %eq3A_133 = arith.cmpi eq, %select_n3A_128, %eq3A_132 : vector<256x4096xi32>
    %add3A_134 = arith.constant 8192 : i32
    %add3A_135 = vector.broadcast %add3A_134 : i32 to vector<256x4096xi32>
    %add3A_136 = arith.addi %select_n3A_128, %add3A_135 : vector<256x4096xi32>
    %select_n3A_137 = arith.select %eq3A_133, %add3A_136, %select_n3A_128 : vector<256x4096xi1>, vector<256x4096xi32>
    %reduce_min3A_138 = arith.constant dense<2147483647> : vector<256xi32>
    %reduce_min3A_139 = vector.multi_reduction <minsi>, %select_n3A_137, %reduce_min3A_138 [1] : vector<256x4096xi32> to vector<256xi32>
    %broadcast_in_dim3A_140 = vector.shape_cast %reduce_min3A_139 : vector<256xi32> to vector<256x1xi32>
    %eq3A_141 = vector.broadcast %broadcast_in_dim3A_140 : vector<256x1xi32> to vector<256x4096xi32>
    %eq3A_142 = arith.cmpi eq, %select_n3A_137, %eq3A_141 : vector<256x4096xi32>
    %add3A_143 = arith.constant 8192 : i32
    %add3A_144 = vector.broadcast %add3A_143 : i32 to vector<256x4096xi32>
    %add3A_145 = arith.addi %select_n3A_137, %add3A_144 : vector<256x4096xi32>
    %select_n3A_146 = arith.select %eq3A_142, %add3A_145, %select_n3A_137 : vector<256x4096xi1>, vector<256x4096xi32>
    %reduce_min3A_147 = arith.constant dense<2147483647> : vector<256xi32>
    %reduce_min3A_148 = vector.multi_reduction <minsi>, %select_n3A_146, %reduce_min3A_147 [1] : vector<256x4096xi32> to vector<256xi32>
    %broadcast_in_dim3A_149 = vector.shape_cast %reduce_min3A_148 : vector<256xi32> to vector<256x1xi32>
    %eq3A_150 = vector.broadcast %broadcast_in_dim3A_149 : vector<256x1xi32> to vector<256x4096xi32>
    %eq3A_151 = arith.cmpi eq, %select_n3A_146, %eq3A_150 : vector<256x4096xi32>
    %add3A_152 = arith.constant 8192 : i32
    %add3A_153 = vector.broadcast %add3A_152 : i32 to vector<256x4096xi32>
    %add3A_154 = arith.addi %select_n3A_146, %add3A_153 : vector<256x4096xi32>
    %select_n3A_155 = arith.select %eq3A_151, %add3A_154, %select_n3A_146 : vector<256x4096xi1>, vector<256x4096xi32>
    %reduce_min3A_156 = arith.constant dense<2147483647> : vector<256xi32>
    %reduce_min3A_157 = vector.multi_reduction <minsi>, %select_n3A_155, %reduce_min3A_156 [1] : vector<256x4096xi32> to vector<256xi32>
    %broadcast_in_dim3A_158 = vector.shape_cast %reduce_min3A_157 : vector<256xi32> to vector<256x1xi32>
    %eq3A_159 = vector.broadcast %broadcast_in_dim3A_158 : vector<256x1xi32> to vector<256x4096xi32>
    %eq3A_160 = arith.cmpi eq, %select_n3A_155, %eq3A_159 : vector<256x4096xi32>
    %add3A_161 = arith.constant 8192 : i32
    %add3A_162 = vector.broadcast %add3A_161 : i32 to vector<256x4096xi32>
    %add3A_163 = arith.addi %select_n3A_155, %add3A_162 : vector<256x4096xi32>
    %select_n3A_164 = arith.select %eq3A_160, %add3A_163, %select_n3A_155 : vector<256x4096xi1>, vector<256x4096xi32>
    %reduce_min3A_165 = arith.constant dense<2147483647> : vector<256xi32>
    %reduce_min3A_166 = vector.multi_reduction <minsi>, %select_n3A_164, %reduce_min3A_165 [1] : vector<256x4096xi32> to vector<256xi32>
    %broadcast_in_dim3A_167 = vector.shape_cast %reduce_min3A_166 : vector<256xi32> to vector<256x1xi32>
    %eq3A_168 = vector.broadcast %broadcast_in_dim3A_167 : vector<256x1xi32> to vector<256x4096xi32>
    %eq3A_169 = arith.cmpi eq, %select_n3A_164, %eq3A_168 : vector<256x4096xi32>
    %add3A_170 = arith.constant 8192 : i32
    %add3A_171 = vector.broadcast %add3A_170 : i32 to vector<256x4096xi32>
    %add3A_172 = arith.addi %select_n3A_164, %add3A_171 : vector<256x4096xi32>
    %select_n3A_173 = arith.select %eq3A_169, %add3A_172, %select_n3A_164 : vector<256x4096xi1>, vector<256x4096xi32>
    %reduce_min3A_174 = arith.constant dense<2147483647> : vector<256xi32>
    %reduce_min3A_175 = vector.multi_reduction <minsi>, %select_n3A_173, %reduce_min3A_174 [1] : vector<256x4096xi32> to vector<256xi32>
    %broadcast_in_dim3A_176 = vector.shape_cast %reduce_min3A_175 : vector<256xi32> to vector<256x1xi32>
    %eq3A_177 = vector.broadcast %broadcast_in_dim3A_176 : vector<256x1xi32> to vector<256x4096xi32>
    %eq3A_178 = arith.cmpi eq, %select_n3A_173, %eq3A_177 : vector<256x4096xi32>
    %add3A_179 = arith.constant 8192 : i32
    %add3A_180 = vector.broadcast %add3A_179 : i32 to vector<256x4096xi32>
    %add3A_181 = arith.addi %select_n3A_173, %add3A_180 : vector<256x4096xi32>
    %select_n3A_182 = arith.select %eq3A_178, %add3A_181, %select_n3A_173 : vector<256x4096xi1>, vector<256x4096xi32>
    %reduce_min3A_183 = arith.constant dense<2147483647> : vector<256xi32>
    %reduce_min3A_184 = vector.multi_reduction <minsi>, %select_n3A_182, %reduce_min3A_183 [1] : vector<256x4096xi32> to vector<256xi32>
    %broadcast_in_dim3A_185 = vector.shape_cast %reduce_min3A_184 : vector<256xi32> to vector<256x1xi32>
    %eq3A_186 = vector.broadcast %broadcast_in_dim3A_185 : vector<256x1xi32> to vector<256x4096xi32>
    %eq3A_187 = arith.cmpi eq, %select_n3A_182, %eq3A_186 : vector<256x4096xi32>
    %add3A_188 = arith.constant 8192 : i32
    %add3A_189 = vector.broadcast %add3A_188 : i32 to vector<256x4096xi32>
    %add3A_190 = arith.addi %select_n3A_182, %add3A_189 : vector<256x4096xi32>
    %select_n3A_191 = arith.select %eq3A_187, %add3A_190, %select_n3A_182 : vector<256x4096xi1>, vector<256x4096xi32>
    %reduce_min3A_192 = arith.constant dense<2147483647> : vector<256xi32>
    %reduce_min3A_193 = vector.multi_reduction <minsi>, %select_n3A_191, %reduce_min3A_192 [1] : vector<256x4096xi32> to vector<256xi32>
    %broadcast_in_dim3A_194 = vector.shape_cast %reduce_min3A_193 : vector<256xi32> to vector<256x1xi32>
    %eq3A_195 = vector.broadcast %broadcast_in_dim3A_194 : vector<256x1xi32> to vector<256x4096xi32>
    %eq3A_196 = arith.cmpi eq, %select_n3A_191, %eq3A_195 : vector<256x4096xi32>
    %add3A_197 = arith.constant 8192 : i32
    %add3A_198 = vector.broadcast %add3A_197 : i32 to vector<256x4096xi32>
    %add3A_199 = arith.addi %select_n3A_191, %add3A_198 : vector<256x4096xi32>
    %select_n3A_200 = arith.select %eq3A_196, %add3A_199, %select_n3A_191 : vector<256x4096xi1>, vector<256x4096xi32>
    %reduce_min3A_201 = arith.constant dense<2147483647> : vector<256xi32>
    %reduce_min3A_202 = vector.multi_reduction <minsi>, %select_n3A_200, %reduce_min3A_201 [1] : vector<256x4096xi32> to vector<256xi32>
    %broadcast_in_dim3A_203 = vector.shape_cast %reduce_min3A_202 : vector<256xi32> to vector<256x1xi32>
    %eq3A_204 = vector.broadcast %broadcast_in_dim3A_203 : vector<256x1xi32> to vector<256x4096xi32>
    %eq3A_205 = arith.cmpi eq, %select_n3A_200, %eq3A_204 : vector<256x4096xi32>
    %add3A_206 = arith.constant 8192 : i32
    %add3A_207 = vector.broadcast %add3A_206 : i32 to vector<256x4096xi32>
    %add3A_208 = arith.addi %select_n3A_200, %add3A_207 : vector<256x4096xi32>
    %select_n3A_209 = arith.select %eq3A_205, %add3A_208, %select_n3A_200 : vector<256x4096xi1>, vector<256x4096xi32>
    %reduce_min3A_210 = arith.constant dense<2147483647> : vector<256xi32>
    %reduce_min3A_211 = vector.multi_reduction <minsi>, %select_n3A_209, %reduce_min3A_210 [1] : vector<256x4096xi32> to vector<256xi32>
    %broadcast_in_dim3A_212 = vector.shape_cast %reduce_min3A_211 : vector<256xi32> to vector<256x1xi32>
    %eq3A_213 = vector.broadcast %broadcast_in_dim3A_212 : vector<256x1xi32> to vector<256x4096xi32>
    %eq3A_214 = arith.cmpi eq, %select_n3A_209, %eq3A_213 : vector<256x4096xi32>
    %add3A_215 = arith.constant 8192 : i32
    %add3A_216 = vector.broadcast %add3A_215 : i32 to vector<256x4096xi32>
    %add3A_217 = arith.addi %select_n3A_209, %add3A_216 : vector<256x4096xi32>
    %select_n3A_218 = arith.select %eq3A_214, %add3A_217, %select_n3A_209 : vector<256x4096xi1>, vector<256x4096xi32>
    %reduce_min3A_219 = arith.constant dense<2147483647> : vector<256xi32>
    %reduce_min3A_220 = vector.multi_reduction <minsi>, %select_n3A_218, %reduce_min3A_219 [1] : vector<256x4096xi32> to vector<256xi32>
    %broadcast_in_dim3A_221 = vector.shape_cast %reduce_min3A_220 : vector<256xi32> to vector<256x1xi32>
    %eq3A_222 = vector.broadcast %broadcast_in_dim3A_221 : vector<256x1xi32> to vector<256x4096xi32>
    %eq3A_223 = arith.cmpi eq, %select_n3A_218, %eq3A_222 : vector<256x4096xi32>
    %add3A_224 = arith.constant 8192 : i32
    %add3A_225 = vector.broadcast %add3A_224 : i32 to vector<256x4096xi32>
    %add3A_226 = arith.addi %select_n3A_218, %add3A_225 : vector<256x4096xi32>
    %select_n3A_227 = arith.select %eq3A_223, %add3A_226, %select_n3A_218 : vector<256x4096xi1>, vector<256x4096xi32>
    %reduce_min3A_228 = arith.constant dense<2147483647> : vector<256xi32>
    %reduce_min3A_229 = vector.multi_reduction <minsi>, %select_n3A_227, %reduce_min3A_228 [1] : vector<256x4096xi32> to vector<256xi32>
    %broadcast_in_dim3A_230 = vector.shape_cast %reduce_min3A_229 : vector<256xi32> to vector<256x1xi32>
    %eq3A_231 = vector.broadcast %broadcast_in_dim3A_230 : vector<256x1xi32> to vector<256x4096xi32>
    %eq3A_232 = arith.cmpi eq, %select_n3A_227, %eq3A_231 : vector<256x4096xi32>
    %add3A_233 = arith.constant 8192 : i32
    %add3A_234 = vector.broadcast %add3A_233 : i32 to vector<256x4096xi32>
    %add3A_235 = arith.addi %select_n3A_227, %add3A_234 : vector<256x4096xi32>
    %select_n3A_236 = arith.select %eq3A_232, %add3A_235, %select_n3A_227 : vector<256x4096xi1>, vector<256x4096xi32>
    %reduce_min3A_237 = arith.constant dense<2147483647> : vector<256xi32>
    %reduce_min3A_238 = vector.multi_reduction <minsi>, %select_n3A_236, %reduce_min3A_237 [1] : vector<256x4096xi32> to vector<256xi32>
    %broadcast_in_dim3A_239 = vector.shape_cast %reduce_min3A_238 : vector<256xi32> to vector<256x1xi32>
    %eq3A_240 = vector.broadcast %broadcast_in_dim3A_239 : vector<256x1xi32> to vector<256x4096xi32>
    %eq3A_241 = arith.cmpi eq, %select_n3A_236, %eq3A_240 : vector<256x4096xi32>
    %add3A_242 = arith.constant 8192 : i32
    %add3A_243 = vector.broadcast %add3A_242 : i32 to vector<256x4096xi32>
    %add3A_244 = arith.addi %select_n3A_236, %add3A_243 : vector<256x4096xi32>
    %select_n3A_245 = arith.select %eq3A_241, %add3A_244, %select_n3A_236 : vector<256x4096xi1>, vector<256x4096xi32>
    %reduce_min3A_246 = arith.constant dense<2147483647> : vector<256xi32>
    %reduce_min3A_247 = vector.multi_reduction <minsi>, %select_n3A_245, %reduce_min3A_246 [1] : vector<256x4096xi32> to vector<256xi32>
    %broadcast_in_dim3A_248 = vector.shape_cast %reduce_min3A_247 : vector<256xi32> to vector<256x1xi32>
    %eq3A_249 = vector.broadcast %broadcast_in_dim3A_248 : vector<256x1xi32> to vector<256x4096xi32>
    %eq3A_250 = arith.cmpi eq, %select_n3A_245, %eq3A_249 : vector<256x4096xi32>
    %add3A_251 = arith.constant 8192 : i32
    %add3A_252 = vector.broadcast %add3A_251 : i32 to vector<256x4096xi32>
    %add3A_253 = arith.addi %select_n3A_245, %add3A_252 : vector<256x4096xi32>
    %select_n3A_254 = arith.select %eq3A_250, %add3A_253, %select_n3A_245 : vector<256x4096xi1>, vector<256x4096xi32>
    %reduce_min3A_255 = arith.constant dense<2147483647> : vector<256xi32>
    %reduce_min3A_256 = vector.multi_reduction <minsi>, %select_n3A_254, %reduce_min3A_255 [1] : vector<256x4096xi32> to vector<256xi32>
    %broadcast_in_dim3A_257 = vector.shape_cast %reduce_min3A_256 : vector<256xi32> to vector<256x1xi32>
    %eq3A_258 = vector.broadcast %broadcast_in_dim3A_257 : vector<256x1xi32> to vector<256x4096xi32>
    %eq3A_259 = arith.cmpi eq, %select_n3A_254, %eq3A_258 : vector<256x4096xi32>
    %add3A_260 = arith.constant 8192 : i32
    %add3A_261 = vector.broadcast %add3A_260 : i32 to vector<256x4096xi32>
    %add3A_262 = arith.addi %select_n3A_254, %add3A_261 : vector<256x4096xi32>
    %select_n3A_263 = arith.select %eq3A_259, %add3A_262, %select_n3A_254 : vector<256x4096xi1>, vector<256x4096xi32>
    %reduce_min3A_264 = arith.constant dense<2147483647> : vector<256xi32>
    %reduce_min3A_265 = vector.multi_reduction <minsi>, %select_n3A_263, %reduce_min3A_264 [1] : vector<256x4096xi32> to vector<256xi32>
    %broadcast_in_dim3A_266 = vector.shape_cast %reduce_min3A_265 : vector<256xi32> to vector<256x1xi32>
    %eq3A_267 = vector.broadcast %broadcast_in_dim3A_266 : vector<256x1xi32> to vector<256x4096xi32>
    %eq3A_268 = arith.cmpi eq, %select_n3A_263, %eq3A_267 : vector<256x4096xi32>
    %add3A_269 = arith.constant 8192 : i32
    %add3A_270 = vector.broadcast %add3A_269 : i32 to vector<256x4096xi32>
    %add3A_271 = arith.addi %select_n3A_263, %add3A_270 : vector<256x4096xi32>
    %select_n3A_272 = arith.select %eq3A_268, %add3A_271, %select_n3A_263 : vector<256x4096xi1>, vector<256x4096xi32>
    %reduce_min3A_273 = arith.constant dense<2147483647> : vector<256xi32>
    %reduce_min3A_274 = vector.multi_reduction <minsi>, %select_n3A_272, %reduce_min3A_273 [1] : vector<256x4096xi32> to vector<256xi32>
    %broadcast_in_dim3A_275 = vector.shape_cast %reduce_min3A_274 : vector<256xi32> to vector<256x1xi32>
    %eq3A_276 = vector.broadcast %broadcast_in_dim3A_275 : vector<256x1xi32> to vector<256x4096xi32>
    %eq3A_277 = arith.cmpi eq, %select_n3A_272, %eq3A_276 : vector<256x4096xi32>
    %add3A_278 = arith.constant 8192 : i32
    %add3A_279 = vector.broadcast %add3A_278 : i32 to vector<256x4096xi32>
    %add3A_280 = arith.addi %select_n3A_272, %add3A_279 : vector<256x4096xi32>
    %select_n3A_281 = arith.select %eq3A_277, %add3A_280, %select_n3A_272 : vector<256x4096xi1>, vector<256x4096xi32>
    %reduce_min3A_282 = arith.constant dense<2147483647> : vector<256xi32>
    %reduce_min3A_283 = vector.multi_reduction <minsi>, %select_n3A_281, %reduce_min3A_282 [1] : vector<256x4096xi32> to vector<256xi32>
    %broadcast_in_dim3A_284 = vector.shape_cast %reduce_min3A_283 : vector<256xi32> to vector<256x1xi32>
    %eq3A_285 = vector.broadcast %broadcast_in_dim3A_284 : vector<256x1xi32> to vector<256x4096xi32>
    %eq3A_286 = arith.cmpi eq, %select_n3A_281, %eq3A_285 : vector<256x4096xi32>
    %add3A_287 = arith.constant 8192 : i32
    %add3A_288 = vector.broadcast %add3A_287 : i32 to vector<256x4096xi32>
    %add3A_289 = arith.addi %select_n3A_281, %add3A_288 : vector<256x4096xi32>
    %select_n3A_290 = arith.select %eq3A_286, %add3A_289, %select_n3A_281 : vector<256x4096xi1>, vector<256x4096xi32>
    %reduce_min3A_291 = arith.constant dense<2147483647> : vector<256xi32>
    %reduce_min3A_292 = vector.multi_reduction <minsi>, %select_n3A_290, %reduce_min3A_291 [1] : vector<256x4096xi32> to vector<256xi32>
    %broadcast_in_dim3A_293 = vector.shape_cast %reduce_min3A_292 : vector<256xi32> to vector<256x1xi32>
    %eq3A_294 = vector.broadcast %broadcast_in_dim3A_293 : vector<256x1xi32> to vector<256x4096xi32>
    %eq3A_295 = arith.cmpi eq, %select_n3A_290, %eq3A_294 : vector<256x4096xi32>
    %add3A_296 = arith.constant 8192 : i32
    %add3A_297 = vector.broadcast %add3A_296 : i32 to vector<256x4096xi32>
    %add3A_298 = arith.addi %select_n3A_290, %add3A_297 : vector<256x4096xi32>
    %select_n3A_299 = arith.select %eq3A_295, %add3A_298, %select_n3A_290 : vector<256x4096xi1>, vector<256x4096xi32>
    %reduce_min3A_300 = arith.constant dense<2147483647> : vector<256xi32>
    %reduce_min3A_301 = vector.multi_reduction <minsi>, %select_n3A_299, %reduce_min3A_300 [1] : vector<256x4096xi32> to vector<256xi32>
    %broadcast_in_dim3A_302 = vector.shape_cast %reduce_min3A_301 : vector<256xi32> to vector<256x1xi32>
    %concatenate3A = tpu.concatenate %broadcast_in_dim3A_24, %broadcast_in_dim3A_32, %broadcast_in_dim3A_41, %broadcast_in_dim3A_50, %broadcast_in_dim3A_59, %broadcast_in_dim3A_68, %broadcast_in_dim3A_77, %broadcast_in_dim3A_86, %broadcast_in_dim3A_95, %broadcast_in_dim3A_104, %broadcast_in_dim3A_113, %broadcast_in_dim3A_122, %broadcast_in_dim3A_131, %broadcast_in_dim3A_140, %broadcast_in_dim3A_149, %broadcast_in_dim3A_158, %broadcast_in_dim3A_167, %broadcast_in_dim3A_176, %broadcast_in_dim3A_185, %broadcast_in_dim3A_194, %broadcast_in_dim3A_203, %broadcast_in_dim3A_212, %broadcast_in_dim3A_221, %broadcast_in_dim3A_230, %broadcast_in_dim3A_239, %broadcast_in_dim3A_248, %broadcast_in_dim3A_257, %broadcast_in_dim3A_266, %broadcast_in_dim3A_275, %broadcast_in_dim3A_284, %broadcast_in_dim3A_293, %broadcast_in_dim3A_302 in 1 : vector<256x1xi32>, vector<256x1xi32>, vector<256x1xi32>, vector<256x1xi32>, vector<256x1xi32>, vector<256x1xi32>, vector<256x1xi32>, vector<256x1xi32>, vector<256x1xi32>, vector<256x1xi32>, vector<256x1xi32>, vector<256x1xi32>, vector<256x1xi32>, vector<256x1xi32>, vector<256x1xi32>, vector<256x1xi32>, vector<256x1xi32>, vector<256x1xi32>, vector<256x1xi32>, vector<256x1xi32>, vector<256x1xi32>, vector<256x1xi32>, vector<256x1xi32>, vector<256x1xi32>, vector<256x1xi32>, vector<256x1xi32>, vector<256x1xi32>, vector<256x1xi32>, vector<256x1xi32>, vector<256x1xi32>, vector<256x1xi32>, vector<256x1xi32> -> vector<256x32xi32>
    %slice3A = vector.extract_strided_slice %concatenate3A {offsets = [0, 0], sizes = [256, 1], strides = [1, 1]} : vector<256x32xi32> to vector<256x1xi32>
    %ge3A = arith.constant 4096 : i32
    %ge3A_303 = vector.broadcast %ge3A : i32 to vector<256x32xi32>
    %ge3A_304 = arith.cmpi sge, %concatenate3A, %ge3A_303 : vector<256x32xi32>
    %broadcast_in_dim3A_305 = vector.shape_cast %slice3A : vector<256x1xi32> to vector<256x1xi32>
    %broadcast_in_dim3A_306 = vector.broadcast %broadcast_in_dim3A_305 : vector<256x1xi32> to vector<256x32xi32>
    %select_n3A_307 = arith.select %ge3A_304, %broadcast_in_dim3A_306, %concatenate3A : vector<256x32xi1>, vector<256x32xi32>
    %jit3A = arith.constant 4 : i32
    %div3A = arith.divsi %arg0, %jit3A : i32
    %sign3A = arith.constant 0 : i32
    %sign3A_308 = arith.cmpi sgt, %arg0, %sign3A : i32
    %sign3A_309 = arith.extui %sign3A_308 : i1 to i32
    %sign3A_310 = arith.constant 0 : i32
    %sign3A_311 = arith.cmpi slt, %arg0, %sign3A_310 : i32
    %sign3A_312 = arith.extui %sign3A_311 : i1 to i32
    %sign3A_313 = arith.subi %sign3A_309, %sign3A_312 : i32
    %sign3A_314 = arith.constant 0 : i32
    %sign3A_315 = arith.cmpi sgt, %jit3A, %sign3A_314 : i32
    %sign3A_316 = arith.extui %sign3A_315 : i1 to i32
    %sign3A_317 = arith.constant 0 : i32
    %sign3A_318 = arith.cmpi slt, %jit3A, %sign3A_317 : i32
    %sign3A_319 = arith.extui %sign3A_318 : i1 to i32
    %sign3A_320 = arith.subi %sign3A_316, %sign3A_319 : i32
    %ne3A = arith.cmpi ne, %sign3A_313, %sign3A_320 : i32
    %rem3A = arith.remsi %arg0, %jit3A : i32
    %ne3A_321 = arith.constant 0 : i32
    %ne3A_322 = arith.cmpi ne, %rem3A, %ne3A_321 : i32
    %and3A = arith.andi %ne3A, %ne3A_322 : i1
    %sub3A_323 = arith.constant 1 : i32
    %sub3A_324 = arith.subi %div3A, %sub3A_323 : i32
    %select_n3A_325 = arith.select %and3A, %sub3A_324, %div3A : i32
    %mul3A_326 = arith.constant 4096 : i32
    %mul3A_327 = arith.muli %select_n3A_325, %mul3A_326 : i32
    %add3A_328 = vector.broadcast %mul3A_327 : i32 to vector<256x32xi32>
    %add3A_329 = arith.addi %select_n3A_307, %add3A_328 : vector<256x32xi32>
    %swap3A = arith.constant 0 : index
    %swap3A_330 = arith.constant 0 : index
    %swap3A_331 = vector.load %arg3[%swap3A, %swap3A_330] : memref<256x32xi32, #tpu.memory_space<vmem>>, vector<256x32xi32>
    tpu.vector_store %arg3[%swap3A, %swap3A_330], %add3A_329 {strides = array<i32>} : memref<256x32xi32, #tpu.memory_space<vmem>>, vector<256x32xi32>,
    return
  }
  func.func @transform_0(%arg0: i32) -> (i32, i32, i32) {
    %jit3A = arith.constant 4 : i32
    %div3A = arith.divsi %arg0, %jit3A : i32
    %sign3A = arith.constant 0 : i32
    %sign3A_0 = arith.cmpi sgt, %arg0, %sign3A : i32
    %sign3A_1 = arith.extui %sign3A_0 : i1 to i32
    %sign3A_2 = arith.constant 0 : i32
    %sign3A_3 = arith.cmpi slt, %arg0, %sign3A_2 : i32
    %sign3A_4 = arith.extui %sign3A_3 : i1 to i32
    %sign3A_5 = arith.subi %sign3A_1, %sign3A_4 : i32
    %sign3A_6 = arith.constant 0 : i32
    %sign3A_7 = arith.cmpi sgt, %jit3A, %sign3A_6 : i32
    %sign3A_8 = arith.extui %sign3A_7 : i1 to i32
    %sign3A_9 = arith.constant 0 : i32
    %sign3A_10 = arith.cmpi slt, %jit3A, %sign3A_9 : i32
    %sign3A_11 = arith.extui %sign3A_10 : i1 to i32
    %sign3A_12 = arith.subi %sign3A_8, %sign3A_11 : i32
    %ne3A = arith.cmpi ne, %sign3A_5, %sign3A_12 : i32
    %rem3A = arith.remsi %arg0, %jit3A : i32
    %ne3A_13 = arith.constant 0 : i32
    %ne3A_14 = arith.cmpi ne, %rem3A, %ne3A_13 : i32
    %and3A = arith.andi %ne3A, %ne3A_14 : i1
    %sub3A = arith.constant 1 : i32
    %sub3A_15 = arith.subi %div3A, %sub3A : i32
    %select_n3A = arith.select %and3A, %sub3A_15, %div3A : i32
    %c0_i32 = arith.constant 0 : i32
    %c0_i32_16 = arith.constant 0 : i32
    %c0_i32_17 = arith.constant 0 : i32
    return %select_n3A, %c0_i32, %c0_i32_16 : i32, i32, i32
  }
  func.func @transform_1(%arg0: i32) -> (i32, i32) {
    %c0_i32 = arith.constant 0 : i32
    %c0_i32_0 = arith.constant 0 : i32
    return %arg0, %c0_i32 : i32, i32
  }
  func.func @transform_2(%arg0: i32) -> (i32, i32) {
    %c0_i32 = arith.constant 0 : i32
    %c0_i32_0 = arith.constant 0 : i32
    return %arg0, %c0_i32 : i32, i32
  }
}

module attributes {stable_mosaic.version = 14 : i64} {
  func.func @_stats1_body(%arg0: i32, %arg1: memref<32x256x16xf32, #tpu.memory_space<vmem>>, %arg2: memref<256x16xf32, #tpu.memory_space<vmem>>, %arg3: memref<16x64xf32, #tpu.memory_space<vmem>>, %arg4: memref<8x128xf32, #tpu.memory_space<vmem>>) attributes {dimension_semantics = [#tpu.dimension_semantics<arbitrary>], iteration_bounds = array<i64: 32>, scalar_prefetch = 0 : i64, scratch_operands = 0 : i64, tpu.core_type = #tpu.core_type<tc>, window_params = [{transform_indices = @transform_0, window_bounds = array<i64: 32, 256, 16>}, {transform_indices = @transform_1, window_bounds = array<i64: 256, 16>}, {pipeline_mode = #tpu.pipeline_mode<synchronous>, transform_indices = @transform_2, window_bounds = array<i64: 16, 64>}, {pipeline_mode = #tpu.pipeline_mode<synchronous>, transform_indices = @transform_3, window_bounds = array<i64: 8, 128>}]} {
    %get3A = arith.constant 0 : index
    %get3A_0 = arith.constant 0 : index
    %get3A_1 = arith.constant 0 : index
    %get3A_2 = vector.load %arg1[%get3A, %get3A_0, %get3A_1] : memref<32x256x16xf32, #tpu.memory_space<vmem>>, vector<32x256x16xf32>
    %get3A_3 = arith.constant 0 : index
    %get3A_4 = arith.constant 0 : index
    %get3A_5 = vector.load %arg2[%get3A_3, %get3A_4] : memref<256x16xf32, #tpu.memory_space<vmem>>, vector<256x16xf32>
    %broadcast_in_dim3A = vector.shape_cast %get3A_5 : vector<256x16xf32> to vector<1x256x16xf32>
    %sub3A = vector.broadcast %broadcast_in_dim3A : vector<1x256x16xf32> to vector<32x256x16xf32>
    %sub3A_6 = arith.subf %get3A_2, %sub3A : vector<32x256x16xf32>
    %reshape3A = vector.shape_cast %sub3A_6 : vector<32x256x16xf32> to vector<8192x16xf32>
    %get3A_7 = arith.constant 0 : index
    %get3A_8 = arith.constant 0 : index
    %get3A_9 = vector.load %arg3[%get3A_7, %get3A_8] : memref<16x64xf32, #tpu.memory_space<vmem>>, vector<16x64xf32>
    %dot_general3A = arith.constant dense<0.000000e+00> : vector<8192x64xf32>
    %dot_general3A_10 = tpu.matmul %reshape3A, %get3A_9, %dot_general3A {dimension_numbers = #tpu.dot_dimension_numbers<[1], [0], [0], [1], [0, 0, 1, 1], [], []>, transpose_lhs_hint = false} : vector<8192x16xf32>, vector<16x64xf32>, vector<8192x64xf32> -> vector<8192x64xf32>
    %reduce_sum3A = arith.constant dense<0.000000e+00> : vector<64xf32>
    %reduce_sum3A_11 = vector.multi_reduction <add>, %dot_general3A_10, %reduce_sum3A [0] : vector<8192x64xf32> to vector<64xf32>
    %mul3A = arith.mulf %dot_general3A_10, %dot_general3A_10 : vector<8192x64xf32>
    %reduce_sum3A_12 = arith.constant dense<0.000000e+00> : vector<64xf32>
    %reduce_sum3A_13 = vector.multi_reduction <add>, %mul3A, %reduce_sum3A_12 [0] : vector<8192x64xf32> to vector<64xf32>
    %broadcast_in_dim3A_14 = arith.constant 0.000000e+00 : f32
    %broadcast_in_dim3A_15 = vector.broadcast %broadcast_in_dim3A_14 : f32 to vector<64xf32>
    %concatenate3A = tpu.concatenate %reduce_sum3A_11, %broadcast_in_dim3A_15 in 0 : vector<64xf32>, vector<64xf32> -> vector<128xf32>
    %broadcast_in_dim3A_16 = arith.constant 0.000000e+00 : f32
    %broadcast_in_dim3A_17 = vector.broadcast %broadcast_in_dim3A_16 : f32 to vector<64xf32>
    %concatenate3A_18 = tpu.concatenate %reduce_sum3A_13, %broadcast_in_dim3A_17 in 0 : vector<64xf32>, vector<64xf32> -> vector<128xf32>
    %broadcast_in_dim3A_19 = vector.shape_cast %concatenate3A : vector<128xf32> to vector<1x128xf32>
    %broadcast_in_dim3A_20 = vector.shape_cast %concatenate3A_18 : vector<128xf32> to vector<1x128xf32>
    %broadcast_in_dim3A_21 = arith.constant 0.000000e+00 : f32
    %broadcast_in_dim3A_22 = vector.broadcast %broadcast_in_dim3A_21 : f32 to vector<6x128xf32>
    %concatenate3A_23 = tpu.concatenate %broadcast_in_dim3A_19, %broadcast_in_dim3A_20, %broadcast_in_dim3A_22 in 0 : vector<1x128xf32>, vector<1x128xf32>, vector<6x128xf32> -> vector<8x128xf32>
    %eq3A = arith.constant 0 : i32
    %eq3A_24 = arith.cmpi eq, %arg0, %eq3A : i32
    %convert_element_type3A = arith.extui %eq3A_24 : i1 to i32
    %cond3A = arith.constant 0 : i32
    %cond3A_25 = arith.cmpi ne, %convert_element_type3A, %cond3A : i32
    scf.if %cond3A_25 {
      %broadcast_in_dim3A_31 = arith.constant 0.000000e+00 : f32
      %broadcast_in_dim3A_32 = vector.broadcast %broadcast_in_dim3A_31 : f32 to vector<8x128xf32>
      %swap3A_33 = arith.constant 0 : index
      %swap3A_34 = arith.constant 0 : index
      %swap3A_35 = vector.load %arg4[%swap3A_33, %swap3A_34] : memref<8x128xf32, #tpu.memory_space<vmem>>, vector<8x128xf32>
      tpu.vector_store %arg4[%swap3A_33, %swap3A_34], %broadcast_in_dim3A_32 {strides = array<i32>} : memref<8x128xf32, #tpu.memory_space<vmem>>, vector<8x128xf32>,
    } else {
    }
    %get3A_26 = arith.constant 0 : index
    %get3A_27 = arith.constant 0 : index
    %get3A_28 = vector.load %arg4[%get3A_26, %get3A_27] : memref<8x128xf32, #tpu.memory_space<vmem>>, vector<8x128xf32>
    %add3A = arith.addf %get3A_28, %concatenate3A_23 : vector<8x128xf32>
    %swap3A = arith.constant 0 : index
    %swap3A_29 = arith.constant 0 : index
    %swap3A_30 = vector.load %arg4[%swap3A, %swap3A_29] : memref<8x128xf32, #tpu.memory_space<vmem>>, vector<8x128xf32>
    tpu.vector_store %arg4[%swap3A, %swap3A_29], %add3A {strides = array<i32>} : memref<8x128xf32, #tpu.memory_space<vmem>>, vector<8x128xf32>,
    return
  }
  func.func @transform_0(%arg0: i32) -> (i32, i32, i32) {
    %c0_i32 = arith.constant 0 : i32
    %c0_i32_0 = arith.constant 0 : i32
    %c0_i32_1 = arith.constant 0 : i32
    return %c0_i32, %arg0, %c0_i32_0 : i32, i32, i32
  }
  func.func @transform_1(%arg0: i32) -> (i32, i32) {
    %c0_i32 = arith.constant 0 : i32
    %c0_i32_0 = arith.constant 0 : i32
    return %arg0, %c0_i32 : i32, i32
  }
  func.func @transform_2(%arg0: i32) -> (i32, i32) {
    %c0_i32 = arith.constant 0 : i32
    %c0_i32_0 = arith.constant 0 : i32
    %c0_i32_1 = arith.constant 0 : i32
    return %c0_i32, %c0_i32_0 : i32, i32
  }
  func.func @transform_3(%arg0: i32) -> (i32, i32) {
    %c0_i32 = arith.constant 0 : i32
    %c0_i32_0 = arith.constant 0 : i32
    %c0_i32_1 = arith.constant 0 : i32
    return %c0_i32, %c0_i32_0 : i32, i32
  }
}

module attributes {stable_mosaic.version = 14 : i64} {
  func.func @_stats2_body(%arg0: i32, %arg1: memref<32x256x16xf32, #tpu.memory_space<vmem>>, %arg2: memref<256x16xf32, #tpu.memory_space<vmem>>, %arg3: memref<16x64xf32, #tpu.memory_space<vmem>>, %arg4: memref<64x64xf32, #tpu.memory_space<vmem>>, %arg5: memref<8x128xf32, #tpu.memory_space<vmem>>) attributes {dimension_semantics = [#tpu.dimension_semantics<arbitrary>], iteration_bounds = array<i64: 32>, scalar_prefetch = 0 : i64, scratch_operands = 0 : i64, tpu.core_type = #tpu.core_type<tc>, window_params = [{transform_indices = @transform_0, window_bounds = array<i64: 32, 256, 16>}, {transform_indices = @transform_1, window_bounds = array<i64: 256, 16>}, {pipeline_mode = #tpu.pipeline_mode<synchronous>, transform_indices = @transform_2, window_bounds = array<i64: 16, 64>}, {pipeline_mode = #tpu.pipeline_mode<synchronous>, transform_indices = @transform_3, window_bounds = array<i64: 64, 64>}, {pipeline_mode = #tpu.pipeline_mode<synchronous>, transform_indices = @transform_4, window_bounds = array<i64: 8, 128>}]} {
    %get3A = arith.constant 0 : index
    %get3A_0 = arith.constant 0 : index
    %get3A_1 = arith.constant 0 : index
    %get3A_2 = vector.load %arg1[%get3A, %get3A_0, %get3A_1] : memref<32x256x16xf32, #tpu.memory_space<vmem>>, vector<32x256x16xf32>
    %get3A_3 = arith.constant 0 : index
    %get3A_4 = arith.constant 0 : index
    %get3A_5 = vector.load %arg2[%get3A_3, %get3A_4] : memref<256x16xf32, #tpu.memory_space<vmem>>, vector<256x16xf32>
    %broadcast_in_dim3A = vector.shape_cast %get3A_5 : vector<256x16xf32> to vector<1x256x16xf32>
    %sub3A = vector.broadcast %broadcast_in_dim3A : vector<1x256x16xf32> to vector<32x256x16xf32>
    %sub3A_6 = arith.subf %get3A_2, %sub3A : vector<32x256x16xf32>
    %reshape3A = vector.shape_cast %sub3A_6 : vector<32x256x16xf32> to vector<8192x16xf32>
    %get3A_7 = arith.constant 0 : index
    %get3A_8 = arith.constant 0 : index
    %get3A_9 = vector.load %arg3[%get3A_7, %get3A_8] : memref<16x64xf32, #tpu.memory_space<vmem>>, vector<16x64xf32>
    %dot_general3A = arith.constant dense<0.000000e+00> : vector<8192x64xf32>
    %dot_general3A_10 = tpu.matmul %reshape3A, %get3A_9, %dot_general3A {dimension_numbers = #tpu.dot_dimension_numbers<[1], [0], [0], [1], [0, 0, 1, 1], [], []>, transpose_lhs_hint = false} : vector<8192x16xf32>, vector<16x64xf32>, vector<8192x64xf32> -> vector<8192x64xf32>
    %max3A = arith.constant 0.000000e+00 : f32
    %max3A_11 = vector.broadcast %max3A : f32 to vector<8192x64xf32>
    %max3A_12 = arith.maximumf %dot_general3A_10, %max3A_11 : vector<8192x64xf32>
    %get3A_13 = arith.constant 0 : index
    %get3A_14 = arith.constant 0 : index
    %get3A_15 = vector.load %arg4[%get3A_13, %get3A_14] : memref<64x64xf32, #tpu.memory_space<vmem>>, vector<64x64xf32>
    %dot_general3A_16 = arith.constant dense<0.000000e+00> : vector<8192x64xf32>
    %dot_general3A_17 = tpu.matmul %max3A_12, %get3A_15, %dot_general3A_16 {dimension_numbers = #tpu.dot_dimension_numbers<[1], [0], [0], [1], [0, 0, 1, 1], [], []>, transpose_lhs_hint = false} : vector<8192x64xf32>, vector<64x64xf32>, vector<8192x64xf32> -> vector<8192x64xf32>
    %reduce_sum3A = arith.constant dense<0.000000e+00> : vector<64xf32>
    %reduce_sum3A_18 = vector.multi_reduction <add>, %dot_general3A_17, %reduce_sum3A [0] : vector<8192x64xf32> to vector<64xf32>
    %mul3A = arith.mulf %dot_general3A_17, %dot_general3A_17 : vector<8192x64xf32>
    %reduce_sum3A_19 = arith.constant dense<0.000000e+00> : vector<64xf32>
    %reduce_sum3A_20 = vector.multi_reduction <add>, %mul3A, %reduce_sum3A_19 [0] : vector<8192x64xf32> to vector<64xf32>
    %broadcast_in_dim3A_21 = arith.constant 0.000000e+00 : f32
    %broadcast_in_dim3A_22 = vector.broadcast %broadcast_in_dim3A_21 : f32 to vector<64xf32>
    %concatenate3A = tpu.concatenate %reduce_sum3A_18, %broadcast_in_dim3A_22 in 0 : vector<64xf32>, vector<64xf32> -> vector<128xf32>
    %broadcast_in_dim3A_23 = arith.constant 0.000000e+00 : f32
    %broadcast_in_dim3A_24 = vector.broadcast %broadcast_in_dim3A_23 : f32 to vector<64xf32>
    %concatenate3A_25 = tpu.concatenate %reduce_sum3A_20, %broadcast_in_dim3A_24 in 0 : vector<64xf32>, vector<64xf32> -> vector<128xf32>
    %broadcast_in_dim3A_26 = vector.shape_cast %concatenate3A : vector<128xf32> to vector<1x128xf32>
    %broadcast_in_dim3A_27 = vector.shape_cast %concatenate3A_25 : vector<128xf32> to vector<1x128xf32>
    %broadcast_in_dim3A_28 = arith.constant 0.000000e+00 : f32
    %broadcast_in_dim3A_29 = vector.broadcast %broadcast_in_dim3A_28 : f32 to vector<6x128xf32>
    %concatenate3A_30 = tpu.concatenate %broadcast_in_dim3A_26, %broadcast_in_dim3A_27, %broadcast_in_dim3A_29 in 0 : vector<1x128xf32>, vector<1x128xf32>, vector<6x128xf32> -> vector<8x128xf32>
    %eq3A = arith.constant 0 : i32
    %eq3A_31 = arith.cmpi eq, %arg0, %eq3A : i32
    %convert_element_type3A = arith.extui %eq3A_31 : i1 to i32
    %cond3A = arith.constant 0 : i32
    %cond3A_32 = arith.cmpi ne, %convert_element_type3A, %cond3A : i32
    scf.if %cond3A_32 {
      %broadcast_in_dim3A_38 = arith.constant 0.000000e+00 : f32
      %broadcast_in_dim3A_39 = vector.broadcast %broadcast_in_dim3A_38 : f32 to vector<8x128xf32>
      %swap3A_40 = arith.constant 0 : index
      %swap3A_41 = arith.constant 0 : index
      %swap3A_42 = vector.load %arg5[%swap3A_40, %swap3A_41] : memref<8x128xf32, #tpu.memory_space<vmem>>, vector<8x128xf32>
      tpu.vector_store %arg5[%swap3A_40, %swap3A_41], %broadcast_in_dim3A_39 {strides = array<i32>} : memref<8x128xf32, #tpu.memory_space<vmem>>, vector<8x128xf32>,
    } else {
    }
    %get3A_33 = arith.constant 0 : index
    %get3A_34 = arith.constant 0 : index
    %get3A_35 = vector.load %arg5[%get3A_33, %get3A_34] : memref<8x128xf32, #tpu.memory_space<vmem>>, vector<8x128xf32>
    %add3A = arith.addf %get3A_35, %concatenate3A_30 : vector<8x128xf32>
    %swap3A = arith.constant 0 : index
    %swap3A_36 = arith.constant 0 : index
    %swap3A_37 = vector.load %arg5[%swap3A, %swap3A_36] : memref<8x128xf32, #tpu.memory_space<vmem>>, vector<8x128xf32>
    tpu.vector_store %arg5[%swap3A, %swap3A_36], %add3A {strides = array<i32>} : memref<8x128xf32, #tpu.memory_space<vmem>>, vector<8x128xf32>,
    return
  }
  func.func @transform_0(%arg0: i32) -> (i32, i32, i32) {
    %c0_i32 = arith.constant 0 : i32
    %c0_i32_0 = arith.constant 0 : i32
    %c0_i32_1 = arith.constant 0 : i32
    return %c0_i32, %arg0, %c0_i32_0 : i32, i32, i32
  }
  func.func @transform_1(%arg0: i32) -> (i32, i32) {
    %c0_i32 = arith.constant 0 : i32
    %c0_i32_0 = arith.constant 0 : i32
    return %arg0, %c0_i32 : i32, i32
  }
  func.func @transform_2(%arg0: i32) -> (i32, i32) {
    %c0_i32 = arith.constant 0 : i32
    %c0_i32_0 = arith.constant 0 : i32
    %c0_i32_1 = arith.constant 0 : i32
    return %c0_i32, %c0_i32_0 : i32, i32
  }
  func.func @transform_3(%arg0: i32) -> (i32, i32) {
    %c0_i32 = arith.constant 0 : i32
    %c0_i32_0 = arith.constant 0 : i32
    %c0_i32_1 = arith.constant 0 : i32
    return %c0_i32, %c0_i32_0 : i32, i32
  }
  func.func @transform_4(%arg0: i32) -> (i32, i32) {
    %c0_i32 = arith.constant 0 : i32
    %c0_i32_0 = arith.constant 0 : i32
    %c0_i32_1 = arith.constant 0 : i32
    return %c0_i32, %c0_i32_0 : i32, i32
  }
}

module attributes {stable_mosaic.version = 14 : i64} {
  func.func @_stats3_body(%arg0: i32, %arg1: memref<32x256x16xf32, #tpu.memory_space<vmem>>, %arg2: memref<256x16xf32, #tpu.memory_space<vmem>>, %arg3: memref<16x64xf32, #tpu.memory_space<vmem>>, %arg4: memref<64x64xf32, #tpu.memory_space<vmem>>, %arg5: memref<8x128xf32, #tpu.memory_space<vmem>>, %arg6: memref<64x128xf32, #tpu.memory_space<vmem>>, %arg7: memref<8x128xf32, #tpu.memory_space<vmem>>) attributes {dimension_semantics = [#tpu.dimension_semantics<arbitrary>], iteration_bounds = array<i64: 32>, scalar_prefetch = 0 : i64, scratch_operands = 0 : i64, tpu.core_type = #tpu.core_type<tc>, window_params = [{transform_indices = @transform_0, window_bounds = array<i64: 32, 256, 16>}, {transform_indices = @transform_1, window_bounds = array<i64: 256, 16>}, {pipeline_mode = #tpu.pipeline_mode<synchronous>, transform_indices = @transform_2, window_bounds = array<i64: 16, 64>}, {pipeline_mode = #tpu.pipeline_mode<synchronous>, transform_indices = @transform_3, window_bounds = array<i64: 64, 64>}, {pipeline_mode = #tpu.pipeline_mode<synchronous>, transform_indices = @transform_4, window_bounds = array<i64: 8, 128>}, {pipeline_mode = #tpu.pipeline_mode<synchronous>, transform_indices = @transform_5, window_bounds = array<i64: 64, 128>}, {pipeline_mode = #tpu.pipeline_mode<synchronous>, transform_indices = @transform_6, window_bounds = array<i64: 8, 128>}]} {
    %get3A = arith.constant 0 : index
    %get3A_0 = arith.constant 0 : index
    %get3A_1 = arith.constant 0 : index
    %get3A_2 = vector.load %arg1[%get3A, %get3A_0, %get3A_1] : memref<32x256x16xf32, #tpu.memory_space<vmem>>, vector<32x256x16xf32>
    %get3A_3 = arith.constant 0 : index
    %get3A_4 = arith.constant 0 : index
    %get3A_5 = vector.load %arg2[%get3A_3, %get3A_4] : memref<256x16xf32, #tpu.memory_space<vmem>>, vector<256x16xf32>
    %broadcast_in_dim3A = vector.shape_cast %get3A_5 : vector<256x16xf32> to vector<1x256x16xf32>
    %sub3A = vector.broadcast %broadcast_in_dim3A : vector<1x256x16xf32> to vector<32x256x16xf32>
    %sub3A_6 = arith.subf %get3A_2, %sub3A : vector<32x256x16xf32>
    %reshape3A = vector.shape_cast %sub3A_6 : vector<32x256x16xf32> to vector<8192x16xf32>
    %get3A_7 = arith.constant 0 : index
    %get3A_8 = arith.constant 0 : index
    %get3A_9 = vector.load %arg5[%get3A_7, %get3A_8] : memref<8x128xf32, #tpu.memory_space<vmem>>, vector<1x64xf32>
    %get3A_10 = vector.shape_cast %get3A_9 : vector<1x64xf32> to vector<64xf32>
    %get3A_11 = arith.constant 0 : index
    %get3A_12 = arith.constant 0 : index
    %get3A_13 = vector.load %arg3[%get3A_11, %get3A_12] : memref<16x64xf32, #tpu.memory_space<vmem>>, vector<16x64xf32>
    %dot_general3A = arith.constant dense<0.000000e+00> : vector<8192x64xf32>
    %dot_general3A_14 = tpu.matmul %reshape3A, %get3A_13, %dot_general3A {dimension_numbers = #tpu.dot_dimension_numbers<[1], [0], [0], [1], [0, 0, 1, 1], [], []>, transpose_lhs_hint = false} : vector<8192x16xf32>, vector<16x64xf32>, vector<8192x64xf32> -> vector<8192x64xf32>
    %max3A = arith.constant 0.000000e+00 : f32
    %max3A_15 = vector.broadcast %max3A : f32 to vector<8192x64xf32>
    %max3A_16 = arith.maximumf %dot_general3A_14, %max3A_15 : vector<8192x64xf32>
    %get3A_17 = arith.constant 0 : index
    %get3A_18 = arith.constant 0 : index
    %get3A_19 = vector.load %arg4[%get3A_17, %get3A_18] : memref<64x64xf32, #tpu.memory_space<vmem>>, vector<64x64xf32>
    %dot_general3A_20 = arith.constant dense<0.000000e+00> : vector<8192x64xf32>
    %dot_general3A_21 = tpu.matmul %max3A_16, %get3A_19, %dot_general3A_20 {dimension_numbers = #tpu.dot_dimension_numbers<[1], [0], [0], [1], [0, 0, 1, 1], [], []>, transpose_lhs_hint = false} : vector<8192x64xf32>, vector<64x64xf32>, vector<8192x64xf32> -> vector<8192x64xf32>
    %broadcast_in_dim3A_22 = vector.shape_cast %get3A_10 : vector<64xf32> to vector<1x64xf32>
    %add3A = vector.broadcast %broadcast_in_dim3A_22 : vector<1x64xf32> to vector<8192x64xf32>
    %add3A_23 = arith.addf %dot_general3A_21, %add3A : vector<8192x64xf32>
    %max3A_24 = arith.constant 0.000000e+00 : f32
    %max3A_25 = vector.broadcast %max3A_24 : f32 to vector<8192x64xf32>
    %max3A_26 = arith.maximumf %add3A_23, %max3A_25 : vector<8192x64xf32>
    %get3A_27 = arith.constant 0 : index
    %get3A_28 = arith.constant 0 : index
    %get3A_29 = vector.load %arg6[%get3A_27, %get3A_28] : memref<64x128xf32, #tpu.memory_space<vmem>>, vector<64x128xf32>
    %dot_general3A_30 = arith.constant dense<0.000000e+00> : vector<8192x128xf32>
    %dot_general3A_31 = tpu.matmul %max3A_26, %get3A_29, %dot_general3A_30 {dimension_numbers = #tpu.dot_dimension_numbers<[1], [0], [0], [1], [0, 0, 1, 1], [], []>, transpose_lhs_hint = false} : vector<8192x64xf32>, vector<64x128xf32>, vector<8192x128xf32> -> vector<8192x128xf32>
    %reduce_sum3A = arith.constant dense<0.000000e+00> : vector<128xf32>
    %reduce_sum3A_32 = vector.multi_reduction <add>, %dot_general3A_31, %reduce_sum3A [0] : vector<8192x128xf32> to vector<128xf32>
    %mul3A = arith.mulf %dot_general3A_31, %dot_general3A_31 : vector<8192x128xf32>
    %reduce_sum3A_33 = arith.constant dense<0.000000e+00> : vector<128xf32>
    %reduce_sum3A_34 = vector.multi_reduction <add>, %mul3A, %reduce_sum3A_33 [0] : vector<8192x128xf32> to vector<128xf32>
    %broadcast_in_dim3A_35 = vector.shape_cast %reduce_sum3A_32 : vector<128xf32> to vector<1x128xf32>
    %broadcast_in_dim3A_36 = vector.shape_cast %reduce_sum3A_34 : vector<128xf32> to vector<1x128xf32>
    %broadcast_in_dim3A_37 = arith.constant 0.000000e+00 : f32
    %broadcast_in_dim3A_38 = vector.broadcast %broadcast_in_dim3A_37 : f32 to vector<6x128xf32>
    %concatenate3A = tpu.concatenate %broadcast_in_dim3A_35, %broadcast_in_dim3A_36, %broadcast_in_dim3A_38 in 0 : vector<1x128xf32>, vector<1x128xf32>, vector<6x128xf32> -> vector<8x128xf32>
    %eq3A = arith.constant 0 : i32
    %eq3A_39 = arith.cmpi eq, %arg0, %eq3A : i32
    %convert_element_type3A = arith.extui %eq3A_39 : i1 to i32
    %cond3A = arith.constant 0 : i32
    %cond3A_40 = arith.cmpi ne, %convert_element_type3A, %cond3A : i32
    scf.if %cond3A_40 {
      %broadcast_in_dim3A_47 = arith.constant 0.000000e+00 : f32
      %broadcast_in_dim3A_48 = vector.broadcast %broadcast_in_dim3A_47 : f32 to vector<8x128xf32>
      %swap3A_49 = arith.constant 0 : index
      %swap3A_50 = arith.constant 0 : index
      %swap3A_51 = vector.load %arg7[%swap3A_49, %swap3A_50] : memref<8x128xf32, #tpu.memory_space<vmem>>, vector<8x128xf32>
      tpu.vector_store %arg7[%swap3A_49, %swap3A_50], %broadcast_in_dim3A_48 {strides = array<i32>} : memref<8x128xf32, #tpu.memory_space<vmem>>, vector<8x128xf32>,
    } else {
    }
    %get3A_41 = arith.constant 0 : index
    %get3A_42 = arith.constant 0 : index
    %get3A_43 = vector.load %arg7[%get3A_41, %get3A_42] : memref<8x128xf32, #tpu.memory_space<vmem>>, vector<8x128xf32>
    %add3A_44 = arith.addf %get3A_43, %concatenate3A : vector<8x128xf32>
    %swap3A = arith.constant 0 : index
    %swap3A_45 = arith.constant 0 : index
    %swap3A_46 = vector.load %arg7[%swap3A, %swap3A_45] : memref<8x128xf32, #tpu.memory_space<vmem>>, vector<8x128xf32>
    tpu.vector_store %arg7[%swap3A, %swap3A_45], %add3A_44 {strides = array<i32>} : memref<8x128xf32, #tpu.memory_space<vmem>>, vector<8x128xf32>,
    return
  }
  func.func @transform_0(%arg0: i32) -> (i32, i32, i32) {
    %c0_i32 = arith.constant 0 : i32
    %c0_i32_0 = arith.constant 0 : i32
    %c0_i32_1 = arith.constant 0 : i32
    return %c0_i32, %arg0, %c0_i32_0 : i32, i32, i32
  }
  func.func @transform_1(%arg0: i32) -> (i32, i32) {
    %c0_i32 = arith.constant 0 : i32
    %c0_i32_0 = arith.constant 0 : i32
    return %arg0, %c0_i32 : i32, i32
  }
  func.func @transform_2(%arg0: i32) -> (i32, i32) {
    %c0_i32 = arith.constant 0 : i32
    %c0_i32_0 = arith.constant 0 : i32
    %c0_i32_1 = arith.constant 0 : i32
    return %c0_i32, %c0_i32_0 : i32, i32
  }
  func.func @transform_3(%arg0: i32) -> (i32, i32) {
    %c0_i32 = arith.constant 0 : i32
    %c0_i32_0 = arith.constant 0 : i32
    %c0_i32_1 = arith.constant 0 : i32
    return %c0_i32, %c0_i32_0 : i32, i32
  }
  func.func @transform_4(%arg0: i32) -> (i32, i32) {
    %c0_i32 = arith.constant 0 : i32
    %c0_i32_0 = arith.constant 0 : i32
    %c0_i32_1 = arith.constant 0 : i32
    return %c0_i32, %c0_i32_0 : i32, i32
  }
  func.func @transform_5(%arg0: i32) -> (i32, i32) {
    %c0_i32 = arith.constant 0 : i32
    %c0_i32_0 = arith.constant 0 : i32
    %c0_i32_1 = arith.constant 0 : i32
    return %c0_i32, %c0_i32_0 : i32, i32
  }
  func.func @transform_6(%arg0: i32) -> (i32, i32) {
    %c0_i32 = arith.constant 0 : i32
    %c0_i32_0 = arith.constant 0 : i32
    %c0_i32_1 = arith.constant 0 : i32
    return %c0_i32, %c0_i32_0 : i32, i32
  }
}

module attributes {stable_mosaic.version = 14 : i64} {
  func.func @_final_body(%arg0: i32, %arg1: memref<32x256x16xf32, #tpu.memory_space<vmem>>, %arg2: memref<256x16xf32, #tpu.memory_space<vmem>>, %arg3: memref<16x64xf32, #tpu.memory_space<vmem>>, %arg4: memref<64x64xf32, #tpu.memory_space<vmem>>, %arg5: memref<8x128xf32, #tpu.memory_space<vmem>>, %arg6: memref<64x128xf32, #tpu.memory_space<vmem>>, %arg7: memref<256x128xf32, #tpu.memory_space<vmem>>) attributes {dimension_semantics = [#tpu.dimension_semantics<arbitrary>], iteration_bounds = array<i64: 32>, scalar_prefetch = 0 : i64, scratch_operands = 0 : i64, tpu.core_type = #tpu.core_type<tc>, window_params = [{transform_indices = @transform_0, window_bounds = array<i64: 32, 256, 16>}, {transform_indices = @transform_1, window_bounds = array<i64: 256, 16>}, {pipeline_mode = #tpu.pipeline_mode<synchronous>, transform_indices = @transform_2, window_bounds = array<i64: 16, 64>}, {pipeline_mode = #tpu.pipeline_mode<synchronous>, transform_indices = @transform_3, window_bounds = array<i64: 64, 64>}, {pipeline_mode = #tpu.pipeline_mode<synchronous>, transform_indices = @transform_4, window_bounds = array<i64: 8, 128>}, {pipeline_mode = #tpu.pipeline_mode<synchronous>, transform_indices = @transform_5, window_bounds = array<i64: 64, 128>}, {transform_indices = @transform_6, window_bounds = array<i64: 256, 128>}]} {
    %get3A = arith.constant 0 : index
    %get3A_0 = arith.constant 0 : index
    %get3A_1 = arith.constant 0 : index
    %get3A_2 = vector.load %arg1[%get3A, %get3A_0, %get3A_1] : memref<32x256x16xf32, #tpu.memory_space<vmem>>, vector<32x256x16xf32>
    %get3A_3 = arith.constant 0 : index
    %get3A_4 = arith.constant 0 : index
    %get3A_5 = vector.load %arg2[%get3A_3, %get3A_4] : memref<256x16xf32, #tpu.memory_space<vmem>>, vector<256x16xf32>
    %broadcast_in_dim3A = vector.shape_cast %get3A_5 : vector<256x16xf32> to vector<1x256x16xf32>
    %sub3A = vector.broadcast %broadcast_in_dim3A : vector<1x256x16xf32> to vector<32x256x16xf32>
    %sub3A_6 = arith.subf %get3A_2, %sub3A : vector<32x256x16xf32>
    %reshape3A = vector.shape_cast %sub3A_6 : vector<32x256x16xf32> to vector<8192x16xf32>
    %get3A_7 = arith.constant 0 : index
    %get3A_8 = arith.constant 0 : index
    %get3A_9 = vector.load %arg5[%get3A_7, %get3A_8] : memref<8x128xf32, #tpu.memory_space<vmem>>, vector<1x64xf32>
    %get3A_10 = vector.shape_cast %get3A_9 : vector<1x64xf32> to vector<64xf32>
    %get3A_11 = arith.constant 1 : index
    %get3A_12 = arith.constant 0 : index
    %get3A_13 = vector.load %arg5[%get3A_11, %get3A_12] : memref<8x128xf32, #tpu.memory_space<vmem>>, vector<1x128xf32>
    %get3A_14 = vector.shape_cast %get3A_13 : vector<1x128xf32> to vector<128xf32>
    %get3A_15 = arith.constant 0 : index
    %get3A_16 = arith.constant 0 : index
    %get3A_17 = vector.load %arg3[%get3A_15, %get3A_16] : memref<16x64xf32, #tpu.memory_space<vmem>>, vector<16x64xf32>
    %dot_general3A = arith.constant dense<0.000000e+00> : vector<8192x64xf32>
    %dot_general3A_18 = tpu.matmul %reshape3A, %get3A_17, %dot_general3A {dimension_numbers = #tpu.dot_dimension_numbers<[1], [0], [0], [1], [0, 0, 1, 1], [], []>, transpose_lhs_hint = false} : vector<8192x16xf32>, vector<16x64xf32>, vector<8192x64xf32> -> vector<8192x64xf32>
    %max3A = arith.constant 0.000000e+00 : f32
    %max3A_19 = vector.broadcast %max3A : f32 to vector<8192x64xf32>
    %max3A_20 = arith.maximumf %dot_general3A_18, %max3A_19 : vector<8192x64xf32>
    %get3A_21 = arith.constant 0 : index
    %get3A_22 = arith.constant 0 : index
    %get3A_23 = vector.load %arg4[%get3A_21, %get3A_22] : memref<64x64xf32, #tpu.memory_space<vmem>>, vector<64x64xf32>
    %dot_general3A_24 = arith.constant dense<0.000000e+00> : vector<8192x64xf32>
    %dot_general3A_25 = tpu.matmul %max3A_20, %get3A_23, %dot_general3A_24 {dimension_numbers = #tpu.dot_dimension_numbers<[1], [0], [0], [1], [0, 0, 1, 1], [], []>, transpose_lhs_hint = false} : vector<8192x64xf32>, vector<64x64xf32>, vector<8192x64xf32> -> vector<8192x64xf32>
    %broadcast_in_dim3A_26 = vector.shape_cast %get3A_10 : vector<64xf32> to vector<1x64xf32>
    %add3A = vector.broadcast %broadcast_in_dim3A_26 : vector<1x64xf32> to vector<8192x64xf32>
    %add3A_27 = arith.addf %dot_general3A_25, %add3A : vector<8192x64xf32>
    %max3A_28 = arith.constant 0.000000e+00 : f32
    %max3A_29 = vector.broadcast %max3A_28 : f32 to vector<8192x64xf32>
    %max3A_30 = arith.maximumf %add3A_27, %max3A_29 : vector<8192x64xf32>
    %get3A_31 = arith.constant 0 : index
    %get3A_32 = arith.constant 0 : index
    %get3A_33 = vector.load %arg6[%get3A_31, %get3A_32] : memref<64x128xf32, #tpu.memory_space<vmem>>, vector<64x128xf32>
    %dot_general3A_34 = arith.constant dense<0.000000e+00> : vector<8192x128xf32>
    %dot_general3A_35 = tpu.matmul %max3A_30, %get3A_33, %dot_general3A_34 {dimension_numbers = #tpu.dot_dimension_numbers<[1], [0], [0], [1], [0, 0, 1, 1], [], []>, transpose_lhs_hint = false} : vector<8192x64xf32>, vector<64x128xf32>, vector<8192x128xf32> -> vector<8192x128xf32>
    %broadcast_in_dim3A_36 = vector.shape_cast %get3A_14 : vector<128xf32> to vector<1x128xf32>
    %add3A_37 = vector.broadcast %broadcast_in_dim3A_36 : vector<1x128xf32> to vector<8192x128xf32>
    %add3A_38 = arith.addf %dot_general3A_35, %add3A_37 : vector<8192x128xf32>
    %max3A_39 = arith.constant 0.000000e+00 : f32
    %max3A_40 = vector.broadcast %max3A_39 : f32 to vector<8192x128xf32>
    %max3A_41 = arith.maximumf %add3A_38, %max3A_40 : vector<8192x128xf32>
    %reshape3A_42 = vector.shape_cast %max3A_41 : vector<8192x128xf32> to vector<32x256x128xf32>
    %reduce_max3A = arith.constant dense<0xFF800000> : vector<256x128xf32>
    %reduce_max3A_43 = vector.multi_reduction <maximumf>, %reshape3A_42, %reduce_max3A [0] : vector<32x256x128xf32> to vector<256x128xf32>
    %swap3A = arith.constant 0 : index
    %swap3A_44 = arith.constant 0 : index
    %swap3A_45 = vector.load %arg7[%swap3A, %swap3A_44] : memref<256x128xf32, #tpu.memory_space<vmem>>, vector<256x128xf32>
    tpu.vector_store %arg7[%swap3A, %swap3A_44], %reduce_max3A_43 {strides = array<i32>} : memref<256x128xf32, #tpu.memory_space<vmem>>, vector<256x128xf32>,
    return
  }
  func.func @transform_0(%arg0: i32) -> (i32, i32, i32) {
    %c0_i32 = arith.constant 0 : i32
    %c0_i32_0 = arith.constant 0 : i32
    %c0_i32_1 = arith.constant 0 : i32
    return %c0_i32, %arg0, %c0_i32_0 : i32, i32, i32
  }
  func.func @transform_1(%arg0: i32) -> (i32, i32) {
    %c0_i32 = arith.constant 0 : i32
    %c0_i32_0 = arith.constant 0 : i32
    return %arg0, %c0_i32 : i32, i32
  }
  func.func @transform_2(%arg0: i32) -> (i32, i32) {
    %c0_i32 = arith.constant 0 : i32
    %c0_i32_0 = arith.constant 0 : i32
    %c0_i32_1 = arith.constant 0 : i32
    return %c0_i32, %c0_i32_0 : i32, i32
  }
  func.func @transform_3(%arg0: i32) -> (i32, i32) {
    %c0_i32 = arith.constant 0 : i32
    %c0_i32_0 = arith.constant 0 : i32
    %c0_i32_1 = arith.constant 0 : i32
    return %c0_i32, %c0_i32_0 : i32, i32
  }
  func.func @transform_4(%arg0: i32) -> (i32, i32) {
    %c0_i32 = arith.constant 0 : i32
    %c0_i32_0 = arith.constant 0 : i32
    %c0_i32_1 = arith.constant 0 : i32
    return %c0_i32, %c0_i32_0 : i32, i32
  }
  func.func @transform_5(%arg0: i32) -> (i32, i32) {
    %c0_i32 = arith.constant 0 : i32
    %c0_i32_0 = arith.constant 0 : i32
    %c0_i32_1 = arith.constant 0 : i32
    return %c0_i32, %c0_i32_0 : i32, i32
  }
  func.func @transform_6(%arg0: i32) -> (i32, i32) {
    %c0_i32 = arith.constant 0 : i32
    %c0_i32_0 = arith.constant 0 : i32
    return %arg0, %c0_i32 : i32, i32
  }
}

</mosaic_0001>

<sc_bundles>
// kernel: kernel.9.cloned.1.call-start
scs
__scs_entry_jumppad:
0x0: {  	(pc) =	sbr.rel $0x88, $3  }
0x1: {  	(tag) =	ssettag $0x0;
	lr =	simm.s32 $0x1  }
0x2: {  	[smem:$0x3F93] =	sst lr;
	_ =	strace $0xD0000000  }
0x3: {  	_ = 	snop  }
0x4: {  	_ = 	snop  }
0x5: {  	_ = 	snop  }
0x6: {  	_ = 	snop  }
0x7: {  	_ = 	snop  }
__scs_overlays_trampoline_lowered:
0x8: {  	[smem:$0x3FA2] =	sst s0  }
0x9: {  	[smem:$0x3FA3] =	sst s1  }
0xa: {  	[smem:$0x3FA4] =	sst s2  }
0xb: {  	[smem:$0x3FA5] =	sst s3  }
0xc: {  	[smem:$0x3FA6] =	sst s4  }
0xd: {  	[smem:$0x3FA7] =	sst s5  }
0xe: {  	[smem:$0x3FA8] =	sst s6  }
0xf: {  	[smem:$0x3FA9] =	sst s7  }
0x10: {  	[smem:$0x3FAA] =	sst s8  }
0x11: {  	[smem:$0x3FAB] =	sst s9;
	s0 =	simm.s32 @!p0 $0x0  }
0x12: {  	s1 =	sld [smem:$0x3F91];
	s0 =	simm.s32 @p0 $0x1  }
0x13: {  	[smem:$0x3FAC] =	sst s0;
	s0 =	simm.s32 @!p1 $0x0  }
0x14: {  	s2 =	sld [smem:$0x3F90];
	s0 =	simm.s32 @p1 $0x1  }
0x15: {  	[smem:$0x3FAD] =	sst s0;
	s0 =	simm.s32 @!p2 $0x0  }
0x16: {  	s3 =	sld [smem:$0x3FDB];
	s0 =	simm.s32 @p2 $0x1  }
0x17: {  	s4 =	simm.s32 $0x1BF5;
	[smem:$0x3FAF] =	sst s0  }
0x18: {  	s0 =	sld [smem:$0x3F92];
	_ =	swait.ge [sflag:s4], $0x0  }
0x19: {  	s7 =	sld [smem:$0x3F93]  }
0x1a: {  	s8 =	sadd.s32 $0xFFFFE003, lr  }
0x1b: {  	s9 =	sadd.s32 $0xFFFFFEF7, lr;
	s5 =	simm.s32 $0xFFFFFFFF;
	p2 =	slt.u32 s8, $0xFFFFF086  }
0x1c: {  	p1 =	slt.u32 s9, $0xF7A;
	s5 =	simm.s32 @!p2 $0x0  }
0x1d: {  	s5 =	simm.s32 @p1 $0x1;
	p0 =	seq.s32 s7, s2  }
0x1e: {  	s7 =	smul.u32 @!p0 $0xF7A, s2;
	p2 =	seq.s32 @!p0 s5, $0x0  }
0x1f: {  	s9 =	smul.u32 $0xF7A, s1;
	s8 =	simm.s32 @!p0 $0x1BF5;
	p2 =	por !p2, p0  }
0x20: {  	[sflag:s8] =	ssyncset.s32 @!p0 $0xFFFFF086;
	s6 =	sadd.s32 @!p0 s3, s7;
	s7 =	simm.s32 @!p0 $0x108  }
0x21: {  	s3 =	sadd.s32 s3, s9;
	s6 =	sadd.s32 @!p0 $0x88, s6;
	s7 =	simm.s32 @p2 $0x1082  }
0x22: {  	[simem:s7], [sflag:s8] =	dma.local @!p0 [hbm:s6], $0xF7A  }
0x23: {  	s9 =	sor.u32 $0xD0000000, s2;
	s6 =	simm.s32 $0x108;
	_ =	swait.ge @!p0 [sflag:s8], $0x0  }
0x24: {  	s3 =	sadd.s32 $0x88, s3;
	s6 =	simm.s32 @!p1 $0x1082;
	[sflag:s4] =	ssyncset.s32 $0xFFFFF086  }
0x25: {  	[simem:s6], [sflag:s4] =	dma.local [hbm:s3], $0xF7A  }
0x26: {  	[smem:$0x3F93] =	sst s1;
	(tag) =	ssettag s2;
	_ =	strace s9  }
0x27: {  	s1 =	sld [smem:$0x3FA3]  }
0x28: {  	s2 =	sld [smem:$0x3FA4]  }
0x29: {  	s4 =	sld [smem:$0x3FA6]  }
0x2a: {  	p0 =	seq.s32 s5, $0x0;
	s5 =	sld [smem:$0x3FA7]  }
0x2b: {  	s6 =	sld [smem:$0x3FA8]  }
0x2c: {  	s7 =	sld [smem:$0x3FA9]  }
0x2d: {  	s3 =	simm.s32 $0x108;
	s8 =	sld [smem:$0x3FAA]  }
0x2e: {  	s3 =	simm.s32 @!p0 $0x1082;
	s9 =	sld [smem:$0x3FAB]  }
0x2f: {  	lr =	sadd.s32 s0, s3;
	s0 =	sld [smem:$0x3FA2]  }
0x30: {  	s3 =	sld [smem:$0x3FA5]  }
0x31: {  	[smem:$0x3FAE] =	sst s10  }
0x32: {  	s10 =	sld [smem:$0x3FAC];
	_ =	sdelay $0x3  }
0x33: {  	p0 =	seq.s32 s10, $0x1;
	s10 =	sld [smem:$0x3FAE];
	_ =	sdelay $0x3  }
0x34: {  	[smem:$0x3FAE] =	sst s10  }
0x35: {  	s10 =	sld [smem:$0x3FAD];
	_ =	sdelay $0x3  }
0x36: {  	p1 =	seq.s32 s10, $0x1;
	s10 =	sld [smem:$0x3FAE];
	_ =	sdelay $0x3  }
0x37: {  	[smem:$0x3FAE] =	sst s10  }
0x38: {  	s10 =	sld [smem:$0x3FAF]  }
0x39: {  	_ = 	snop;
	(pc) =	sbr.ind lr, $3  }
0x3a: {  	_ = 	snop  }
0x3b: {  	_ = 	snop  }
0x3c: {  	p2 =	seq.s32 s10, $0x1;
	s10 =	sld [smem:$0x3FAE]  }
0x3d: {  	_ =	shalt  }
0x3e: {  	_ =	shalt  }
0x3f: {  	_ =	shalt  }
0x40: {  	_ =	shalt  }
0x41: {  	_ =	shalt  }
0x42: {  	_ =	shalt  }
0x43: {  	_ =	shalt  }
0x44: {  	_ =	shalt  }
0x45: {  	_ =	shalt  }
0x46: {  	_ =	shalt  }
0x47: {  	_ =	shalt  }
0x48: {  	_ =	shalt  }
0x49: {  	_ =	shalt  }
0x4a: {  	_ =	shalt  }
0x4b: {  	_ =	shalt  }
0x4c: {  	_ =	shalt  }
0x4d: {  	_ =	shalt  }
0x4e: {  	_ =	shalt  }
0x4f: {  	_ =	shalt  }
0x50: {  	_ =	shalt  }
0x51: {  	_ =	shalt  }
0x52: {  	_ =	shalt  }
0x53: {  	_ =	shalt  }
0x54: {  	_ =	shalt  }
0x55: {  	_ =	shalt  }
0x56: {  	_ =	shalt  }
0x57: {  	_ =	shalt  }
0x58: {  	_ =	shalt  }
0x59: {  	_ =	shalt  }
0x5a: {  	_ =	shalt  }
0x5b: {  	_ =	shalt  }
0x5c: {  	_ =	shalt  }
0x5d: {  	_ =	shalt  }
0x5e: {  	_ =	shalt  }
0x5f: {  	_ =	shalt  }
0x60: {  	_ =	shalt  }
0x61: {  	_ =	shalt  }
0x62: {  	_ =	shalt  }
0x63: {  	_ =	shalt  }
0x64: {  	_ =	shalt  }
0x65: {  	_ =	shalt  }
0x66: {  	_ =	shalt  }
0x67: {  	_ =	shalt  }
0x68: {  	_ =	shalt  }
0x69: {  	_ =	shalt  }
0x6a: {  	_ =	shalt  }
0x6b: {  	_ =	shalt  }
0x6c: {  	_ =	shalt  }
0x6d: {  	_ =	shalt  }
0x6e: {  	_ =	shalt  }
0x6f: {  	_ =	shalt  }
0x70: {  	_ =	shalt  }
0x71: {  	_ =	shalt  }
0x72: {  	_ =	shalt  }
0x73: {  	_ =	shalt  }
0x74: {  	_ =	shalt  }
0x75: {  	_ =	shalt  }
0x76: {  	_ =	shalt  }
0x77: {  	_ =	shalt  }
0x78: {  	_ =	shalt  }
0x79: {  	_ =	shalt  }
0x7a: {  	_ =	shalt  }
0x7b: {  	_ =	shalt  }
0x7c: {  	_ =	shalt  }
0x7d: {  	_ =	shalt  }
0x7e: {  	_ =	shalt  }
0x7f: {  	_ =	shalt  }
0x80: {  	_ =	shalt  }
0x81: {  	_ =	shalt  }
0x82: {  	_ =	shalt  }
0x83: {  	_ =	shalt  }
0x84: {  	_ =	shalt  }
0x85: {  	_ =	shalt  }
0x86: {  	_ =	shalt  }
0x87: {  	_ =	shalt  }
.Lfunc_end0:
.L_simem_size_0:
called_computation_lowered:
.L_overlay_start_0:
0x88: {  	s2 =	sld [smem:$0x3FD9]  }
0x89: {  	s3 =	sld [smem:$0x3FFE];
	_ =	sdelay $0x1  }
0x8a: {  	s1 =	srdreg.scid  }
0x8b: {  	s0 =	sand.u32 $0x1, s1  }
0x8c: {  	s16 =	sshll.u32 s0, $0xA;
	s2 =	sadd.s32 s3, s2  }
0x8d: {  	s2 =	sadd.s32 s2, s16  }
0x8e: {  	[smem:$0x3FBA] =	sst s2  }
0x8f: {  	_ = 	snop  }
0x90: {  	(tm) =	ssettm $0x1  }
0x91: {  	s17 =	sld [smem:$0x3FFB];
	_ =	sdelay $0x3  }
0x92: {  	_ =	strace s17  }
0x93: {  	s2 =	sld [smem:$0x3FFC];
	_ =	sdelay $0x3  }
0x94: {  	_ =	strace s2  }
0x95: {  	s2 =	sld [smem:$0x3FFD];
	_ =	sdelay $0x3  }
0x96: {  	_ =	strace s2  }
0x97: {  	_ =	strace $0x8FFFFFFF  }
0x98: {  	s18 =	sld [smem:$0x3FDB];
	_ =	sdelay $0x1  }
0x99: {  	s19 =	simm.s32 $_scs_section_size  }
0x9a: {  	s4 =	simm.s32 $_size__tile_overlayer_lowered;
	s5 =	simm.s32 $_tile_overlayer_lowered  }
0x9b: {  	s22 =	simm.s32 $0x1BFF;
	s21 =	sshll.u32 s5, $0x1;
	s2 =	sadd.s32 s19, s18  }
0x9c: {  	s6 =	simm.s32 $0x0;
	s20 =	sshll.u32 s4, $0x1;
	s4 =	sadd.s32 s21, s2  }
0x9d: {  	[timem:s6], [sflag:s22] =	dma.local [hbm:s4], s20  }
0x9e: {  	_ =	swait.ge [sflag:s22], s20  }
0x9f: {  	s3 =	ssub.s32 $0x0, s20;
	[sflag:s22] =	ssyncset.done $0x0  }
0xa0: {  	[sflag:s22] =	ssyncadd.s32 s3;
	_ =	sdelay $0x1  }
0xa1: {  	s23 =	simm.s32 $0x1B8B  }
0xa2: {  	_ =	swait.ge [sflag:s23], $0x1  }
0xa3: {  	[sflag:s23] =	ssyncset.done $0x0  }
0xa4: {  	s25 =	simm.s32 $0x1B8E;
	s24 =	sld [smem:$0x3FFE];
	[sflag:s23] =	ssyncadd.s32 $0xFFFFFFFF  }
0xa5: {  	s26 =	simm.s32 $execute0_lowered;
	[smem:$0x3FD2] =	sst s25  }
0xa6: {  	s4 =	sshll.u32 s26, $0x1;
	_ =	strace $0x80000046;
	[dreg:$0x1] =	wrdreg $0xFFFFFFFF  }
0xa7: {  	s28 =	simm.s32 $_size_execute0_lowered;
	s2 =	sadd.s32 s2, s4;
	[dreg:$0x0] =	wrdreg $0x0  }
0xa8: {  	s4 =	sshll.u32 s28, $0x1;
	[dreg:$0x2] =	wrdreg s2  }
0xa9: {  	[dreg:$0x3] =	wrdreg s4  }
0xaa: {  	[dreg:$0x4] =	wrdreg $0xC0  }
0xab: {  	_ =	task [dreg:s6], $0x5FFFF  }
0xac: {  	[dreg:$0x1] =	wrdreg $0xFFFFFFFF  }
0xad: {  	[dreg:$0x0] =	wrdreg $0x60  }
0xae: {  	[dreg:$0x2] =	wrdreg s24  }
0xaf: {  	[dreg:$0x3] =	wrdreg $0x9  }
0xb0: {  	_ =	task.clear_ibuf [dreg:s6], $0x4FFFF;
	_ =	strace $0x90000046  }
0xb1: {  	s29 =	simm.s32 $0x9;
	_ =	strace $0x80000048  }
0xb2: {  	_ =	swait.ge [sflag:s29], $0x1  }
0xb3: {  	[sflag:s29] =	ssyncadd.s32 $0xFFFFFFFF  }
0xb4: {  	_ =	strace $0x90000048  }
0xb5: {  	_ =	sfence  }
0xb6: {  	s30 =	sld [smem:$0x0];
	_ =	sdelay $0x2  }
0xb7: {  	s31 =	sshll.u32 s1, $0xD;
	s1 =	sshrl.u32 s1, $0x2  }
0xb8: {  	s3 =	sand.u32 $0x4000, s31;
	s1 =	sadd.s32 s1, s30  }
0xb9: {  	s0 =	sor.u32 s3, s0;
	s1 =	sshll.u32 s1, $0x11  }
0xba: {  	s0 =	sor.u32 s1, s0  }
0xbb: {  	s0 =	sadd.s32 $0x8F2B, s0  }
0xbc: {  	[sflag:s0] =	ssyncadd.remote.s32 $0x1  }
0xbd: {  	_ =	sfence.sel $0xFFFF  }
0xbe: {  	[dreg:$0x0] =	wrdreg $0xFFFFFFFF;
	(pc) =	sbr.abs _section_cstart, $3  }
0xbf: {  	[dreg:$0x1] =	wrdreg $0xFFFFFFFF  }
0xc0: {  	_ =	task.clear_ibuf [dreg:s6], $0x2FFFF;
	_ =	strace $0x9FFFFFFF  }
0xc1: {  	(tm) =	ssettm $0x7FFFFFFF  }
tec
execute0_lowered:
.L_overlay_start_1:
0x0: {  	(tag) =	ssettag $0x1  }
0x1: {  	s4 =	rddreg [dreg:$0x0]  }
0x2: {  	s0 =	rddreg [dreg:$0x1]  }
0x3: {  	s3 =	srdreg.scid;
	s2 =	simm.s32 $0x0;
	s1 =	stileid.u32  }
0x4: {  	s10 =	simm.s32 $0x2;
	s11 =	simm.s32 $0x2800;
	s12 =	simm.s32 $0x0  }
0x5: {  	s7 =	sand.u32 $0x1, s3;
	[smem:$0x7FF] =	sst s2;
	s28 =	sshll.u32 s1, $0xE  }
0x6: {  	s3 =	sadd.s32 $0xAC00, s4;
	s9 =	sadd.s32 $0x1AC00, s4;
	s31 =	sshll.u32 s1, $0xF  }
0x7: {  	s5 =	sshll.u32 s7, $0xD;
	_ =	strace $0x80000047;
	s8 =	ssub.s32 $0x2, s7  }
0x8: {  	s7 =	sshll.u32 s7, $0xE;
	s5 =	sor.u32 s5, s28;
	s29 =	sshrl.u32 s8, $0x1  }
0x9: {  	s6 =	sshrl.u32 s5, $0x3;
	s8 =	ssub.s32 s8, s29;
	s5 =	sshll.u32 s5, $0x1  }
0xa: {  	s6 =	sadd.s32 s6, s4;
	s30 =	sadd.s32 s9, s5;
	s5 =	smax.u32 s8, $0x1  }
0xb: {  	s8 =	sadd.s32 s31, s9;
	s9 =	simm.s32 $0x2000;
	s4 =	sadd.s32 $0x2C00, s6  }
0xc: {  	s6 =	sadd.s32 $0x3F00, s30;
	s7 =	sadd.s32 s7, s8;
	s8 =	simm.s32 $0x3  }
.LBB2_1:
0xd: {  	[tilespmem:s2], [sflag:$0x3] =	stream.linear.gather [hbm4b:s4+s2], $0x2000, $0x38;
	[tilespmem:$0x3000] =	vst v63  }
0xe: {  	_ =	swait.ge [sflag:s8], $0x2000  }
0xf: {  	s14 =	sand.u32 $0x1, s2;
	[sflag:s8] =	ssyncset.done $0x0  }
0x10: {  	s13 =	simm.s32 $0x80;
	p0 =	seq.s32 s14, $0x1;
	[sflag:s8] =	ssyncadd.s32 $0xFFFFE000  }
0x11: {  	[tilespmem:s9], [sflag:$0x1] =	stream.indirect.gather [hbm4b:s3+s13], $0x10, s2, s13, $0xb8;
	[tilespmem:$0x3000] =	vst v63  }
0x12: {  	s14 =	simm.s32 @p0 $0x80;
	s15 =	simm.s32 @p0 $0x2000;
	s16 =	simm.s32 @p0 $0x2  }
0x13: {  	[tilespmem:s15], [sflag:$0x1] =	stream.indirect.gather @p0 [hbm4b:s3+s14], $0x10, s13, s14, $0xb8;
	[tilespmem:$0x3000] =	vst v63  }
0x14: {  	_ =	swait.ge @p0 [sflag:s16], $0x800  }
0x15: {  	[sflag:s16] =	ssyncset.done @p0 $0x0  }
0x16: {  	s14 =	simm.s32 @p0 $0x0;
	s15 =	simm.s32 @p0 $0x2800;
	[sflag:s16] =	ssyncadd.s32 @p0 $0xFFFFF800  }
0x17: {  	[hbm4b:s7+s14] =	stream.linear.scatter @p0 [tilespmem:s15], [sflag:$0x3], $0x800, $0x38;
	[tilespmem:$0x3000] =	vst v63  }
0x18: {  	s17 =	simm.s32 @!p0 $0x1;
	s14 =	simm.s32 @!p0 $0x80;
	s15 =	simm.s32 @!p0 $0x2800  }
0x19: {  	[tilespmem:s15], [sflag:$0x2] =	stream.indirect.gather @!p0 [hbm4b:s3+s14], $0x10, s13, s14, $0xb8;
	[tilespmem:$0x3000] =	vst v63  }
0x1a: {  	s16 =	simm.s32 @!p0 $0x4;
	_ =	swait.ge @!p0 [sflag:s17], $0x800  }
0x1b: {  	s31 =	simm.s32 $0x1;
	s16 =	simm.s32 @p0 $0x3;
	[sflag:s17] =	ssyncset.done @!p0 $0x0  }
0x1c: {  	s14 =	simm.s32 @!p0 $0x2000;
	[sflag:s17] =	ssyncadd.s32 @!p0 $0xFFFFF800;
	s17 =	simm.s32 @!p0 $0x0  }
0x1d: {  	[hbm4b:s7+s17] =	stream.linear.scatter @!p0 [tilespmem:s14], [sflag:$0x4], $0x800, $0x38;
	[tilespmem:$0x3000] =	vst v63  }
0x1e: {  	s15 =	simm.s32 $0x2;
	s13 =	sand.u32 $0x1, s31;
	s14 =	simm.s32 $0x100  }
0x1f: {  	p0 =	seq.s32 s13, $0x1;
	s13 =	sadd.s32 $0x100, s7;
	_ =	swait.ge [sflag:s16], $0x800  }
.LBB2_2:
0x20: {  	s17 =	simm.s32 @p0 $0x80;
	s18 =	simm.s32 @p0 $0x2000  }
0x21: {  	[sflag:s16] =	ssyncset.done $0x0;
	s19 =	smov.u32 s15;
	s20 =	smov.u32 s14  }
0x22: {  	s15 =	sadd.s32 $0x1, s15;
	s21 =	simm.s32 @p0 $0x2;
	[sflag:s16] =	ssyncadd.s32 $0xFFFFF800  }
0x23: {  	[tilespmem:s18], [sflag:$0x1] =	stream.indirect.gather @p0 [hbm4b:s3+s17], $0x10, s14, s17, $0xb8;
	[tilespmem:$0x3000] =	vst v63  }
0x24: {  	p1 =	sne.s32 s15, $0x3F;
	_ =	swait.ge @p0 [sflag:s21], $0x800  }
0x25: {  	s14 =	sadd.s32 $0x80, s14;
	[sflag:s21] =	ssyncset.done @p0 $0x0  }
0x26: {  	s16 =	simm.s32 @p0 $0x0;
	s17 =	simm.s32 @p0 $0x2800;
	[sflag:s21] =	ssyncadd.s32 @p0 $0xFFFFF800  }
0x27: {  	[hbm4b:s13+s16] =	stream.linear.scatter @p0 [tilespmem:s17], [sflag:$0x3], $0x800, $0x38;
	[tilespmem:$0x3000] =	vst v63  }
0x28: {  	s18 =	simm.s32 @!p0 $0x1;
	s16 =	simm.s32 @!p0 $0x80;
	s17 =	simm.s32 @!p0 $0x2800  }
0x29: {  	[tilespmem:s17], [sflag:$0x2] =	stream.indirect.gather @!p0 [hbm4b:s3+s16], $0x10, s20, s16, $0xb8;
	[tilespmem:$0x3000] =	vst v63  }
.Ltmp0:
0x2a: {  	s17 =	sand.u32 $0x1, s19;
	_ =	swait.ge @!p0 [sflag:s18], $0x800;
	(pc) =	sbr.rel @p1 .LBB2_2-.Ltmp0, $4  }
0x2b: {  	s19 =	simm.s32 @!p0 $0x2000;
	s16 =	simm.s32 @!p0 $0x4;
	[sflag:s18] =	ssyncset.done @!p0 $0x0  }
0x2c: {  	s16 =	simm.s32 @p0 $0x3;
	[sflag:s18] =	ssyncadd.s32 @!p0 $0xFFFFF800;
	s18 =	simm.s32 @!p0 $0x0  }
0x2d: {  	[hbm4b:s13+s18] =	stream.linear.scatter @!p0 [tilespmem:s19], [sflag:$0x4], $0x800, $0x38;
	[tilespmem:$0x3000] =	vst v63  }
0x2e: {  	p0 =	seq.s32 s17, $0x1;
	s13 =	sadd.s32 $0x100, s13;
	_ =	swait.ge [sflag:s16], $0x800  }
0x2f: {  	s15 =	simm.s32 @p0 $0x80;
	[sflag:s16] =	ssyncset.done $0x0  }
0x30: {  	s17 =	simm.s32 @p0 $0x2000;
	s18 =	simm.s32 @p0 $0x2;
	[sflag:s16] =	ssyncadd.s32 $0xFFFFF800  }
0x31: {  	[tilespmem:s17], [sflag:$0x1] =	stream.indirect.gather @p0 [hbm4b:s3+s15], $0x10, s14, s15, $0xb8;
	[tilespmem:$0x3000] =	vst v63  }
0x32: {  	_ =	swait.ge @p0 [sflag:s18], $0x800  }
0x33: {  	[sflag:s18] =	ssyncset.done @p0 $0x0  }
0x34: {  	s16 =	simm.s32 @p0 $0x2800;
	s15 =	simm.s32 @p0 $0x0;
	[sflag:s18] =	ssyncadd.s32 @p0 $0xFFFFF800  }
0x35: {  	[hbm4b:s13+s15] =	stream.linear.scatter @p0 [tilespmem:s16], [sflag:$0x3], $0x800, $0x38;
	[tilespmem:$0x3000] =	vst v63  }
0x36: {  	s17 =	simm.s32 @!p0 $0x1;
	s15 =	simm.s32 @!p0 $0x80;
	s16 =	simm.s32 @!p0 $0x2800  }
0x37: {  	[tilespmem:s16], [sflag:$0x2] =	stream.indirect.gather @!p0 [hbm4b:s3+s15], $0x10, s14, s15, $0xb8;
	[tilespmem:$0x3000] =	vst v63  }
0x38: {  	_ =	swait.ge @!p0 [sflag:s17], $0x800  }
0x39: {  	s14 =	simm.s32 @!p0 $0x2000;
	s15 =	simm.s32 @!p0 $0x4;
	[sflag:s17] =	ssyncset.done @!p0 $0x0  }
0x3a: {  	s16 =	simm.s32 @!p0 $0x0;
	s15 =	simm.s32 @p0 $0x3;
	[sflag:s17] =	ssyncadd.s32 @!p0 $0xFFFFF800  }
0x3b: {  	[hbm4b:s13+s16] =	stream.linear.scatter @!p0 [tilespmem:s14], [sflag:$0x4], $0x800, $0x38;
	[tilespmem:$0x3000] =	vst v63  }
0x3c: {  	_ =	swait.ge [sflag:s15], $0x800  }
0x3d: {  	[sflag:s15] =	ssyncset.done $0x0  }
0x3e: {  	[sflag:s15] =	ssyncadd.s32 $0xFFFFF800  }
0x3f: {  	s12 =	sadd.s32 $0x1, s12;
	_ =	swait.ge [sflag:s10], $0x800  }
0x40: {  	p0 =	sne.s32 s12, s5;
	[sflag:s10] =	ssyncset.done $0x0  }
.Ltmp1:
0x41: {  	[sflag:s10] =	ssyncadd.s32 $0xFFFFF800;
	(pc) =	sbr.rel @p0 .LBB2_1-.Ltmp1, $4  }
0x42: {  	[hbm4b:s6+s2] =	stream.linear.scatter [tilespmem:s11], [sflag:$0x3], $0x800, $0x38;
	[tilespmem:$0x3000] =	vst v63  }
0x43: {  	_ =	swait.ge [sflag:s8], $0x800  }
0x44: {  	[sflag:s8] =	ssyncset.done $0x0  }
0x45: {  	[sflag:s8] =	ssyncadd.s32 $0xFFFFF800  }
0x46: {  	_ =	sfence.sel $0x180000  }
0x47: {  	[bflag:$0x0] =	sbarrier.arrive $0xFFFF  }
0x48: {  	p0 =	sne.s32 s1, $0x0;
	_ =	strace $0x90000047  }
0x49: {  	s0 =	sadd.s32 @!p0 $0x100000, s0;
	[bflag:$0x2] =	sbarrier.arrive $0xFFFF  }
0x4a: {  	[sflag:s0] =	ssyncadd.tile.s32 @!p0 $0x1;
	_ =	shalt  }
.Lfunc_end2:
_tile_overlayer_lowered:
.L_overlay_start_2:
0x4b: {  	(tag) =	ssettag $0x2  }
0x4c: {  	s0 =	rddreg [dreg:$0x0];
	s2 =	stileid.u32  }
0x4d: {  	s1 =	rddreg [dreg:$0x1];
	p0 =	sne.s32 s2, $0x0  }
0x4e: {  	s3 =	rddreg [dreg:$0x2];
	[bflag:$0x3] =	sbarrier.arrive $0xFFFF;
	s2 =	simm.s32 @!p0 $0x1C03  }
0x4f: {  	[timem:s3], [sflag:s2] =	dma.local @!p0 [hbm:s0], s1  }
0x50: {  	s0 =	simm.s32 @!p0 $0x3  }
0x51: {  	_ =	swait.ge @!p0 [sflag:s0], s1  }
0x52: {  	s1 =	ssub.s32 @!p0 $0x0, s1;
	[sflag:s0] =	ssyncset.done @!p0 $0x0  }
0x53: {  	[sflag:s0] =	ssyncadd.s32 @!p0 s1  }
0x54: {  	[bflag:$0x3] =	sbarrier.arrive $0xFFFF  }
0x55: {  	_ =	shalt  }

</sc_bundles>
